<compile_context>
chip_gen: v7x
topology: tpu7x:2x2x1
jax: 0.10.2.dev20260603
libtpu: 0.0.44.dev20260713+nightly
codegen_flags: <defaults>
</compile_context>

<pallas_src>
import functools

import jax
import jax.numpy as jnp
from jax import lax
from jax.experimental import pallas as pl
from jax.experimental.pallas import tpu as pltpu
from jax.experimental.pallas import tpu_sc as plsc

E = 16
S = 2048
DI = 768
DH = 512
DO = 768
TILE = 256
NT = S // TILE
GRID = NT + E - 1



def _cumsum(a, axis):
    n = a.shape[axis]
    sh = 1
    while sh < n:
        zshape = list(a.shape)
        zshape[axis] = sh
        shifted = jnp.concatenate(
            [jnp.zeros(zshape, a.dtype), lax.slice_in_dim(a, 0, n - sh, axis=axis)],
            axis=axis)
        a = a + shifted
        sh *= 2
    return a


def _router_body(x_ref, wr_ref, br_ref, probs_ref, pos_ref, se_ref,
                 tile_ref, exp_ref, valid_ref):
    x = x_ref[...]
    wr = wr_ref[...]
    logits = lax.dot_general(x, wr, (((1,), (1,)), ((), ())),
                             preferred_element_type=jnp.float32)
    logits = logits + br_ref[...]

    m = jnp.max(logits, axis=1, keepdims=True)
    p = jnp.exp(logits - m)
    probs_ref[...] = p / jnp.sum(p, axis=1, keepdims=True)

    ecol = lax.broadcasted_iota(jnp.int32, (S, E), 1)
    e_t = jnp.min(jnp.where(logits == m, ecol, E), axis=1, keepdims=True)
    oh = (ecol == e_t).astype(jnp.int32)
    csum = _cumsum(oh, 0)
    counts = csum[S - 1:S, :]
    end = _cumsum(counts, 1)
    off = end - counts

    pos_ref[...] = jnp.sum(oh * (off + csum - 1), axis=1, keepdims=True)

    prow = lax.broadcasted_iota(jnp.int32, (S, E), 0)
    se_ref[...] = jnp.sum((prow >= end).astype(jnp.int32), axis=1,
                          keepdims=True)

    nonempty = counts > 0
    t0 = jnp.where(nonempty, off // TILE, 0)
    t1 = jnp.where(nonempty, (off + counts - 1) // TILE, 0)
    npairs = jnp.where(nonempty, t1 - t0 + 1, 0)
    pend = _cumsum(npairs, 1)
    poff = pend - npairs
    srow = lax.broadcasted_iota(jnp.int32, (GRID, E), 0)
    hit = (srow >= poff) & (srow < pend)
    ecol2 = lax.broadcasted_iota(jnp.int32, (GRID, E), 1)
    exp_s = jnp.sum(jnp.where(hit, ecol2, 0), axis=1, keepdims=True)
    tile_s = jnp.sum(jnp.where(hit, t0 + (srow - poff), 0), axis=1,
                     keepdims=True)
    valid_s = jnp.sum(hit.astype(jnp.int32), axis=1, keepdims=True)

    last_e = jnp.sum((end <= S - 1).astype(jnp.int32), axis=1, keepdims=True)
    valid_b = valid_s > 0
    tile_ref[...] = jnp.where(valid_b, tile_s, NT - 1)
    exp_ref[...] = jnp.where(valid_b, exp_s, last_e)
    valid_ref[...] = valid_s


_router_call = pl.pallas_call(
    _router_body,
    out_shape=[
        jax.ShapeDtypeStruct((S, E), jnp.float32),
        jax.ShapeDtypeStruct((S, 1), jnp.int32),
        jax.ShapeDtypeStruct((S, 1), jnp.int32),
        jax.ShapeDtypeStruct((GRID, 1), jnp.int32),
        jax.ShapeDtypeStruct((GRID, 1), jnp.int32),
        jax.ShapeDtypeStruct((GRID, 1), jnp.int32),
    ],
)



_NC, _NS = 2, 16
_NW = _NC * _NS
_RPW = S // _NW

@functools.cache
def _sc_kernels():
    mesh = plsc.VectorSubcoreMesh(core_axis_name="c", subcore_axis_name="s",
                                  num_cores=_NC, num_subcores=_NS)

    @functools.partial(
        pl.kernel,
        out_type=jax.ShapeDtypeStruct((S, DI), jnp.float32),
        mesh=mesh,
        scratch_types=[
            pltpu.VMEM((_RPW,), jnp.int32),
            pltpu.VMEM((_RPW, DI), jnp.float32),
            pltpu.SemaphoreType.DMA,
        ],
    )
    def _sc_scatter(x_hbm, pos_hbm, out_hbm, idx_v, rows_v, sem):
        wid = lax.axis_index("s") * _NC + lax.axis_index("c")
        base = wid * _RPW
        pltpu.sync_copy(pos_hbm.at[pl.ds(base, _RPW)], idx_v)
        pltpu.sync_copy(x_hbm.at[pl.ds(base, _RPW)], rows_v)
        pltpu.async_copy(rows_v, out_hbm.at[idx_v], sem).wait()

    @functools.partial(
        pl.kernel,
        out_type=jax.ShapeDtypeStruct((S, DO), jnp.float32),
        mesh=mesh,
        scratch_types=[
            pltpu.VMEM((_RPW,), jnp.int32),
            pltpu.VMEM((_RPW, DO), jnp.float32),
            pltpu.SemaphoreType.DMA,
        ],
    )
    def _sc_gather(y_hbm, pos_hbm, out_hbm, idx_v, rows_v, sem):
        wid = lax.axis_index("s") * _NC + lax.axis_index("c")
        base = wid * _RPW
        pltpu.sync_copy(pos_hbm.at[pl.ds(base, _RPW)], idx_v)
        pltpu.async_copy(y_hbm.at[idx_v], rows_v, sem).wait()
        pltpu.sync_copy(rows_v, out_hbm.at[pl.ds(base, _RPW)])

    return _sc_scatter, _sc_gather



def _moe_body(tile_t, exp_t, valid_t, x_ref, w1_ref, b1_ref, w2_ref, b2_ref,
              se_ref, out_ref):
    s = pl.program_id(0)
    prev = tile_t[jnp.maximum(s - 1, 0)]

    @pl.when(jnp.logical_or(s == 0, tile_t[s] != prev))
    def _init():
        out_ref[...] = jnp.zeros_like(out_ref)

    @pl.when(valid_t[s] > 0)
    def _compute():
        x = x_ref[...]
        h = lax.dot_general(x, w1_ref[0], (((1,), (1,)), ((), ())),
                            preferred_element_type=jnp.float32)
        h = h + b1_ref[0]
        h = 0.5 * h * (1.0 + lax.erf(h * 0.7071067811865476))
        y = lax.dot_general(h, w2_ref[0], (((1,), (1,)), ((), ())),
                            preferred_element_type=jnp.float32)
        y = y + b2_ref[0]
        mask = (se_ref[0] == exp_t[s]).astype(jnp.float32)
        out_ref[...] += y * mask


_moe_grid = pltpu.PrefetchScalarGridSpec(
    num_scalar_prefetch=3,
    grid=(GRID,),
    in_specs=[
        pl.BlockSpec((TILE, DI), lambda s, tt, et, vt: (tt[s], 0)),
        pl.BlockSpec((1, DH, DI), lambda s, tt, et, vt: (et[s], 0, 0)),
        pl.BlockSpec((1, 1, DH), lambda s, tt, et, vt: (et[s], 0, 0)),
        pl.BlockSpec((1, DO, DH), lambda s, tt, et, vt: (et[s], 0, 0)),
        pl.BlockSpec((1, 1, DO), lambda s, tt, et, vt: (et[s], 0, 0)),
        pl.BlockSpec((1, TILE, 1), lambda s, tt, et, vt: (tt[s], 0, 0)),
    ],
    out_specs=pl.BlockSpec((TILE, DO), lambda s, tt, et, vt: (tt[s], 0)),
)

_moe_call = pl.pallas_call(
    _moe_body,
    grid_spec=_moe_grid,
    out_shape=jax.ShapeDtypeStruct((S, DO), jnp.float32),
)


def kernel(x, Wr, br, W1, b1, W2, b2):
    x2 = x.reshape(S, DI)
    probs, pos2, se2, tile_t, exp_t, valid_t = _router_call(
        x2, Wr, br.reshape(1, E))
    pos = pos2.reshape(S)
    _sc_scatter, _sc_gather = _sc_kernels()
    sorted_x = _sc_scatter(x2, pos)
    y_sorted = _moe_call(
        tile_t.reshape(GRID), exp_t.reshape(GRID), valid_t.reshape(GRID),
        sorted_x, W1, b1.reshape(E, 1, DH), W2, b2.reshape(E, 1, DO),
        se2.reshape(NT, TILE, 1))
    out = _sc_gather(y_sorted, pos)
    return out.reshape(1, S, DO), probs.reshape(1, S, E)

# --- scband reference (transcript-rebuilt; emitter-appended) ---
"""Pipeline reference for scband-mixture-of-experts-60799557042406 (READ-ONLY COPY).

The authoritative reference and input builder live on the scoring server;
editing this copy changes nothing except your own understanding.
"""

import jax, jax.numpy as jnp
import numpy as np

NUM_EXPERTS = 16
TOP_K = 1
D_IN = 768
D_HID = 512
D_OUT = 768
B = 1
S = 2048


def setup_inputs(seed: int = 0) -> dict:
    key = jax.random.key(seed)
    ks = jax.random.split(key, 8)
    x = jax.random.normal(ks[0], (B, S, D_IN), dtype=jnp.float32)
    # router (nn.Linear(input_dim, num_experts))
    Wr = jax.random.normal(ks[1], (NUM_EXPERTS, D_IN), dtype=jnp.float32) * (1.0 / np.sqrt(D_IN))
    br = jax.random.normal(ks[2], (NUM_EXPERTS,), dtype=jnp.float32) * 0.01
    # stacked expert params: Linear(D_IN->D_HID), GELU, Linear(D_HID->D_OUT)
    W1 = jax.random.normal(ks[3], (NUM_EXPERTS, D_HID, D_IN), dtype=jnp.float32) * (1.0 / np.sqrt(D_IN))
    b1 = jax.random.normal(ks[4], (NUM_EXPERTS, D_HID), dtype=jnp.float32) * 0.01
    W2 = jax.random.normal(ks[5], (NUM_EXPERTS, D_OUT, D_HID), dtype=jnp.float32) * (1.0 / np.sqrt(D_HID))
    b2 = jax.random.normal(ks[6], (NUM_EXPERTS, D_OUT), dtype=jnp.float32) * 0.01
    return {"x": x, "Wr": Wr, "br": br, "W1": W1, "b1": b1, "W2": W2, "b2": b2}


def reference(x, Wr, br, W1, b1, W2, b2):
    # router
    router_logits = jnp.einsum('bsd,ed->bse', x, Wr) + br
    router_probs = jax.nn.softmax(router_logits, axis=-1)
    top_k_probs, top_k_indices = jax.lax.top_k(router_probs, TOP_K)
    top_k_probs = top_k_probs / jnp.sum(top_k_probs, axis=-1, keepdims=True)
    # per-token, per-expert combine coefficient: sum_k 1[idx_k == e] * w_k
    # (mathematically identical to the torch masked accumulation loop)
    coef = jnp.zeros((B, S, NUM_EXPERTS), dtype=x.dtype)
    for k in range(TOP_K):
        coef = coef + jax.nn.one_hot(top_k_indices[..., k], NUM_EXPERTS, dtype=x.dtype) * top_k_probs[..., k:k + 1]
    # run every expert (dense-equivalent of masked dispatch); exact erf GELU like nn.GELU
    h = jax.nn.gelu(jnp.einsum('bsd,ehd->bseh', x, W1) + b1[None, None, :, :], approximate=False)
    y = jnp.einsum('bseh,eoh->bseo', h, W2) + b2[None, None, :, :]
    output = jnp.einsum('bse,bseo->bso', coef, y)
    return (output, router_probs)

if __name__ == "__main__":
    import jax
    _d = setup_inputs()
    print(jax.jit(kernel)(*tuple(_d.values())))

</pallas_src>

<mosaic_0001>
#map = affine_map<(d0, d1) -> (0, 0)>
#map1 = affine_map<(d0, d1) -> (0)>
module attributes {stable_mosaic.version = 14 : i64} {
  func.func @_sc_gather(%arg0: i32, %arg1: i32, %arg2: memref<2048x768xf32, #tpu.memory_space<hbm>>, %arg3: memref<2048xi32, #tpu.memory_space<hbm>>, %arg4: memref<2048x768xf32, #tpu.memory_space<hbm>>, %arg5: memref<64xi32, #tpu.memory_space<vmem>>, %arg6: memref<64x768xf32, #tpu.memory_space<vmem>>, %arg7: memref<!tpu.dma_semaphore, #tpu.memory_space<semaphore_mem>>) attributes {dimension_semantics = [#tpu.dimension_semantics<core_parallel>, #tpu.dimension_semantics<subcore_parallel>], iteration_bounds = array<i64: 2, 16>, scalar_prefetch = 0 : i64, scratch_operands = 3 : i64, tpu.core_type = #tpu.core_type<sc_vector_subcore>, window_params = [{transform_indices = #map}, {transform_indices = #map1}, {transform_indices = #map}]} {
    %mul3A = arith.constant 2 : i32
    %mul3A_0 = arith.muli %arg1, %mul3A : i32
    %add3A = arith.addi %mul3A_0, %arg0 : i32
    %mul3A_1 = arith.constant 64 : i32
    %mul3A_2 = arith.muli %add3A, %mul3A_1 : i32
    "tpu.region"() ({
      %run_scoped3A = tpu.sem_alloc : memref<!tpu.dma_semaphore, #tpu.memory_space<semaphore_mem>>
      %dma_start3A_7 = tpu.memref_slice %arg3[%mul3A_2] : memref<2048xi32, #tpu.memory_space<hbm>> -> memref<64xi32, #tpu.memory_space<hbm>>
      %dma_start3A_8 = tpu.memref_slice %arg3[%mul3A_2] : memref<2048xi32, #tpu.memory_space<hbm>> -> memref<64xi32, #tpu.memory_space<hbm>>
      tpu.enqueue_dma source(%dma_start3A_8 : memref<64xi32, #tpu.memory_space<hbm>>) target(%arg5 : memref<64xi32, #tpu.memory_space<vmem>>) target_semaphore(%run_scoped3A : memref<!tpu.dma_semaphore, #tpu.memory_space<semaphore_mem>>)
      %dma_wait3A_9 = tpu.memref_slice %arg3[%mul3A_2] : memref<2048xi32, #tpu.memory_space<hbm>> -> memref<64xi32, #tpu.memory_space<hbm>>
      %dma_wait3A_10 = tpu.memref_slice %arg3[%mul3A_2] : memref<2048xi32, #tpu.memory_space<hbm>> -> memref<64xi32, #tpu.memory_space<hbm>>
      tpu.wait_dma2 semaphore(%run_scoped3A : memref<!tpu.dma_semaphore, #tpu.memory_space<semaphore_mem>>) src(%dma_wait3A_10 : memref<64xi32, #tpu.memory_space<hbm>>) dst(%arg5 : memref<64xi32, #tpu.memory_space<vmem>>)
      tpu.yield
    }) : () -> ()
    %dma_start3A = arith.constant 0 : i32
    %dma_start3A_3 = arith.constant 0 : i32
    %dma_start3A_4 = tpu.memref_slice %arg2[%dma_start3A, %dma_start3A_3] : memref<2048x768xf32, #tpu.memory_space<hbm>> -> memref<2048x768xf32, #tpu.memory_space<hbm>>
    tpu.enqueue_indirect_dma source(%dma_start3A_4 : memref<2048x768xf32, #tpu.memory_space<hbm>>) target(%arg6 : memref<64x768xf32, #tpu.memory_space<vmem>>) offsets(%arg5 : memref<64xi32, #tpu.memory_space<vmem>>) semaphore(%arg7 : memref<!tpu.dma_semaphore, #tpu.memory_space<semaphore_mem>>)
    %dma_wait3A = arith.constant 0 : i32
    %dma_wait3A_5 = arith.constant 0 : i32
    %dma_wait3A_6 = tpu.memref_slice %arg2[%dma_wait3A, %dma_wait3A_5] : memref<2048x768xf32, #tpu.memory_space<hbm>> -> memref<2048x768xf32, #tpu.memory_space<hbm>>
    tpu.wait_indirect_dma semaphore(%arg7 : memref<!tpu.dma_semaphore, #tpu.memory_space<semaphore_mem>>) src(%dma_wait3A_6 : memref<2048x768xf32, #tpu.memory_space<hbm>>) dst(%arg6 : memref<64x768xf32, #tpu.memory_space<vmem>>)
    "tpu.region"() ({
      %run_scoped3A = tpu.sem_alloc : memref<!tpu.dma_semaphore, #tpu.memory_space<semaphore_mem>>
      %dma_start3A_7 = arith.constant 0 : i32
      %dma_start3A_8 = tpu.memref_slice %arg4[%mul3A_2, %dma_start3A_7] : memref<2048x768xf32, #tpu.memory_space<hbm>> -> memref<64x768xf32, #tpu.memory_space<hbm>>
      %dma_start3A_9 = arith.constant 0 : i32
      %dma_start3A_10 = tpu.memref_slice %arg4[%mul3A_2, %dma_start3A_9] : memref<2048x768xf32, #tpu.memory_space<hbm>> -> memref<64x768xf32, #tpu.memory_space<hbm>>
      tpu.enqueue_dma source(%arg6 : memref<64x768xf32, #tpu.memory_space<vmem>>) target(%dma_start3A_10 : memref<64x768xf32, #tpu.memory_space<hbm>>) target_semaphore(%run_scoped3A : memref<!tpu.dma_semaphore, #tpu.memory_space<semaphore_mem>>)
      %dma_wait3A_11 = arith.constant 0 : i32
      %dma_wait3A_12 = tpu.memref_slice %arg4[%mul3A_2, %dma_wait3A_11] : memref<2048x768xf32, #tpu.memory_space<hbm>> -> memref<64x768xf32, #tpu.memory_space<hbm>>
      %dma_wait3A_13 = arith.constant 0 : i32
      %dma_wait3A_14 = tpu.memref_slice %arg4[%mul3A_2, %dma_wait3A_13] : memref<2048x768xf32, #tpu.memory_space<hbm>> -> memref<64x768xf32, #tpu.memory_space<hbm>>
      tpu.wait_dma2 semaphore(%run_scoped3A : memref<!tpu.dma_semaphore, #tpu.memory_space<semaphore_mem>>) src(%arg6 : memref<64x768xf32, #tpu.memory_space<vmem>>) dst(%dma_wait3A_14 : memref<64x768xf32, #tpu.memory_space<hbm>>)
      tpu.yield
    }) : () -> ()
    return
  }
}

#map = affine_map<(d0, d1) -> (0, 0)>
#map1 = affine_map<(d0, d1) -> (0)>
module attributes {stable_mosaic.version = 14 : i64} {
  func.func @_sc_scatter(%arg0: i32, %arg1: i32, %arg2: memref<2048x768xf32, #tpu.memory_space<hbm>>, %arg3: memref<2048xi32, #tpu.memory_space<hbm>>, %arg4: memref<2048x768xf32, #tpu.memory_space<hbm>>, %arg5: memref<64xi32, #tpu.memory_space<vmem>>, %arg6: memref<64x768xf32, #tpu.memory_space<vmem>>, %arg7: memref<!tpu.dma_semaphore, #tpu.memory_space<semaphore_mem>>) attributes {dimension_semantics = [#tpu.dimension_semantics<core_parallel>, #tpu.dimension_semantics<subcore_parallel>], iteration_bounds = array<i64: 2, 16>, scalar_prefetch = 0 : i64, scratch_operands = 3 : i64, tpu.core_type = #tpu.core_type<sc_vector_subcore>, window_params = [{transform_indices = #map}, {transform_indices = #map1}, {transform_indices = #map}]} {
    %mul3A = arith.constant 2 : i32
    %mul3A_0 = arith.muli %arg1, %mul3A : i32
    %add3A = arith.addi %mul3A_0, %arg0 : i32
    %mul3A_1 = arith.constant 64 : i32
    %mul3A_2 = arith.muli %add3A, %mul3A_1 : i32
    "tpu.region"() ({
      %run_scoped3A = tpu.sem_alloc : memref<!tpu.dma_semaphore, #tpu.memory_space<semaphore_mem>>
      %dma_start3A_7 = tpu.memref_slice %arg3[%mul3A_2] : memref<2048xi32, #tpu.memory_space<hbm>> -> memref<64xi32, #tpu.memory_space<hbm>>
      %dma_start3A_8 = tpu.memref_slice %arg3[%mul3A_2] : memref<2048xi32, #tpu.memory_space<hbm>> -> memref<64xi32, #tpu.memory_space<hbm>>
      tpu.enqueue_dma source(%dma_start3A_8 : memref<64xi32, #tpu.memory_space<hbm>>) target(%arg5 : memref<64xi32, #tpu.memory_space<vmem>>) target_semaphore(%run_scoped3A : memref<!tpu.dma_semaphore, #tpu.memory_space<semaphore_mem>>)
      %dma_wait3A_9 = tpu.memref_slice %arg3[%mul3A_2] : memref<2048xi32, #tpu.memory_space<hbm>> -> memref<64xi32, #tpu.memory_space<hbm>>
      %dma_wait3A_10 = tpu.memref_slice %arg3[%mul3A_2] : memref<2048xi32, #tpu.memory_space<hbm>> -> memref<64xi32, #tpu.memory_space<hbm>>
      tpu.wait_dma2 semaphore(%run_scoped3A : memref<!tpu.dma_semaphore, #tpu.memory_space<semaphore_mem>>) src(%dma_wait3A_10 : memref<64xi32, #tpu.memory_space<hbm>>) dst(%arg5 : memref<64xi32, #tpu.memory_space<vmem>>)
      tpu.yield
    }) : () -> ()
    "tpu.region"() ({
      %run_scoped3A = tpu.sem_alloc : memref<!tpu.dma_semaphore, #tpu.memory_space<semaphore_mem>>
      %dma_start3A_7 = arith.constant 0 : i32
      %dma_start3A_8 = tpu.memref_slice %arg2[%mul3A_2, %dma_start3A_7] : memref<2048x768xf32, #tpu.memory_space<hbm>> -> memref<64x768xf32, #tpu.memory_space<hbm>>
      %dma_start3A_9 = arith.constant 0 : i32
      %dma_start3A_10 = tpu.memref_slice %arg2[%mul3A_2, %dma_start3A_9] : memref<2048x768xf32, #tpu.memory_space<hbm>> -> memref<64x768xf32, #tpu.memory_space<hbm>>
      tpu.enqueue_dma source(%dma_start3A_10 : memref<64x768xf32, #tpu.memory_space<hbm>>) target(%arg6 : memref<64x768xf32, #tpu.memory_space<vmem>>) target_semaphore(%run_scoped3A : memref<!tpu.dma_semaphore, #tpu.memory_space<semaphore_mem>>)
      %dma_wait3A_11 = arith.constant 0 : i32
      %dma_wait3A_12 = tpu.memref_slice %arg2[%mul3A_2, %dma_wait3A_11] : memref<2048x768xf32, #tpu.memory_space<hbm>> -> memref<64x768xf32, #tpu.memory_space<hbm>>
      %dma_wait3A_13 = arith.constant 0 : i32
      %dma_wait3A_14 = tpu.memref_slice %arg2[%mul3A_2, %dma_wait3A_13] : memref<2048x768xf32, #tpu.memory_space<hbm>> -> memref<64x768xf32, #tpu.memory_space<hbm>>
      tpu.wait_dma2 semaphore(%run_scoped3A : memref<!tpu.dma_semaphore, #tpu.memory_space<semaphore_mem>>) src(%dma_wait3A_14 : memref<64x768xf32, #tpu.memory_space<hbm>>) dst(%arg6 : memref<64x768xf32, #tpu.memory_space<vmem>>)
      tpu.yield
    }) : () -> ()
    %dma_start3A = arith.constant 0 : i32
    %dma_start3A_3 = arith.constant 0 : i32
    %dma_start3A_4 = tpu.memref_slice %arg4[%dma_start3A, %dma_start3A_3] : memref<2048x768xf32, #tpu.memory_space<hbm>> -> memref<2048x768xf32, #tpu.memory_space<hbm>>
    tpu.enqueue_indirect_dma source(%arg6 : memref<64x768xf32, #tpu.memory_space<vmem>>) target(%dma_start3A_4 : memref<2048x768xf32, #tpu.memory_space<hbm>>) offsets(%arg5 : memref<64xi32, #tpu.memory_space<vmem>>) semaphore(%arg7 : memref<!tpu.dma_semaphore, #tpu.memory_space<semaphore_mem>>)
    %dma_wait3A = arith.constant 0 : i32
    %dma_wait3A_5 = arith.constant 0 : i32
    %dma_wait3A_6 = tpu.memref_slice %arg4[%dma_wait3A, %dma_wait3A_5] : memref<2048x768xf32, #tpu.memory_space<hbm>> -> memref<2048x768xf32, #tpu.memory_space<hbm>>
    tpu.wait_indirect_dma semaphore(%arg7 : memref<!tpu.dma_semaphore, #tpu.memory_space<semaphore_mem>>) src(%arg6 : memref<64x768xf32, #tpu.memory_space<vmem>>) dst(%dma_wait3A_6 : memref<2048x768xf32, #tpu.memory_space<hbm>>)
    return
  }
}

module attributes {stable_mosaic.version = 14 : i64} {
  func.func @_router_body(%arg0: memref<2048x768xf32, #tpu.memory_space<vmem>>, %arg1: memref<16x768xf32, #tpu.memory_space<vmem>>, %arg2: memref<1x16xf32, #tpu.memory_space<vmem>>, %arg3: memref<2048x16xf32, #tpu.memory_space<vmem>>, %arg4: memref<2048x1xi32, #tpu.memory_space<vmem>>, %arg5: memref<2048x1xi32, #tpu.memory_space<vmem>>, %arg6: memref<23x1xi32, #tpu.memory_space<vmem>>, %arg7: memref<23x1xi32, #tpu.memory_space<vmem>>, %arg8: memref<23x1xi32, #tpu.memory_space<vmem>>) attributes {dimension_semantics = [], scalar_prefetch = 0 : i64, scratch_operands = 0 : i64, tpu.core_type = #tpu.core_type<tc>} {
    %get3A = arith.constant 0 : index
    %get3A_0 = arith.constant 0 : index
    %get3A_1 = vector.load %arg0[%get3A, %get3A_0] : memref<2048x768xf32, #tpu.memory_space<vmem>>, vector<2048x768xf32>
    %get3A_2 = arith.constant 0 : index
    %get3A_3 = arith.constant 0 : index
    %get3A_4 = vector.load %arg1[%get3A_2, %get3A_3] : memref<16x768xf32, #tpu.memory_space<vmem>>, vector<16x768xf32>
    %dot_general3A = arith.constant dense<0.000000e+00> : vector<2048x16xf32>
    %dot_general3A_5 = tpu.matmul %get3A_1, %get3A_4, %dot_general3A {dimension_numbers = #tpu.dot_dimension_numbers<[1], [1], [0], [0], [0, 0, 1, 0], [], []>, transpose_lhs_hint = false} : vector<2048x768xf32>, vector<16x768xf32>, vector<2048x16xf32> -> vector<2048x16xf32>
    %get3A_6 = arith.constant 0 : index
    %get3A_7 = arith.constant 0 : index
    %get3A_8 = vector.load %arg2[%get3A_6, %get3A_7] : memref<1x16xf32, #tpu.memory_space<vmem>>, vector<1x16xf32>
    %add3A = vector.broadcast %get3A_8 : vector<1x16xf32> to vector<2048x16xf32>
    %add3A_9 = arith.addf %dot_general3A_5, %add3A : vector<2048x16xf32>
    %reduce_max3A = arith.constant dense<0xFF800000> : vector<2048xf32>
    %reduce_max3A_10 = vector.multi_reduction <maximumf>, %add3A_9, %reduce_max3A [1] : vector<2048x16xf32> to vector<2048xf32>
    %broadcast_in_dim3A = vector.shape_cast %reduce_max3A_10 : vector<2048xf32> to vector<2048x1xf32>
    %sub3A = vector.broadcast %broadcast_in_dim3A : vector<2048x1xf32> to vector<2048x16xf32>
    %sub3A_11 = arith.subf %add3A_9, %sub3A : vector<2048x16xf32>
    %exp3A = math.exp %sub3A_11 : vector<2048x16xf32>
    %reduce_sum3A = arith.constant dense<0.000000e+00> : vector<2048xf32>
    %reduce_sum3A_12 = vector.multi_reduction <add>, %exp3A, %reduce_sum3A [1] : vector<2048x16xf32> to vector<2048xf32>
    %broadcast_in_dim3A_13 = vector.shape_cast %reduce_sum3A_12 : vector<2048xf32> to vector<2048x1xf32>
    %div3A = vector.broadcast %broadcast_in_dim3A_13 : vector<2048x1xf32> to vector<2048x16xf32>
    %div3A_14 = arith.divf %exp3A, %div3A : vector<2048x16xf32>
    %swap3A = arith.constant 0 : index
    %swap3A_15 = arith.constant 0 : index
    %swap3A_16 = vector.load %arg3[%swap3A, %swap3A_15] : memref<2048x16xf32, #tpu.memory_space<vmem>>, vector<2048x16xf32>
    tpu.vector_store %arg3[%swap3A, %swap3A_15], %div3A_14 {strides = array<i32>} : memref<2048x16xf32, #tpu.memory_space<vmem>>, vector<2048x16xf32>,
    %iota3A = tpu.iota {dimensions = array<i32: 1>} : vector<2048x16xi32>
    %eq3A = vector.broadcast %broadcast_in_dim3A : vector<2048x1xf32> to vector<2048x16xf32>
    %eq3A_17 = arith.cmpf oeq, %add3A_9, %eq3A : vector<2048x16xf32>
    %jit3A = arith.constant 16 : i32
    %broadcast_in_dim3A_18 = vector.broadcast %jit3A : i32 to vector<2048x16xi32>
    %select_n3A = arith.select %eq3A_17, %iota3A, %broadcast_in_dim3A_18 : vector<2048x16xi1>, vector<2048x16xi32>
    %reduce_min3A = arith.constant dense<2147483647> : vector<2048xi32>
    %reduce_min3A_19 = vector.multi_reduction <minsi>, %select_n3A, %reduce_min3A [1] : vector<2048x16xi32> to vector<2048xi32>
    %broadcast_in_dim3A_20 = vector.shape_cast %reduce_min3A_19 : vector<2048xi32> to vector<2048x1xi32>
    %eq3A_21 = vector.broadcast %broadcast_in_dim3A_20 : vector<2048x1xi32> to vector<2048x16xi32>
    %eq3A_22 = arith.cmpi eq, %iota3A, %eq3A_21 : vector<2048x16xi32>
    %convert_element_type3A = arith.extui %eq3A_22 : vector<2048x16xi1> to vector<2048x16xi32>
    %broadcast_in_dim3A_23 = arith.constant 0 : i32
    %broadcast_in_dim3A_24 = vector.broadcast %broadcast_in_dim3A_23 : i32 to vector<1x16xi32>
    %slice3A = vector.extract_strided_slice %convert_element_type3A {offsets = [0, 0], sizes = [2047, 16], strides = [1, 1]} : vector<2048x16xi32> to vector<2047x16xi32>
    %concatenate3A = tpu.concatenate %broadcast_in_dim3A_24, %slice3A in 0 : vector<1x16xi32>, vector<2047x16xi32> -> vector<2048x16xi32>
    %add3A_25 = arith.addi %convert_element_type3A, %concatenate3A : vector<2048x16xi32>
    %broadcast_in_dim3A_26 = arith.constant 0 : i32
    %broadcast_in_dim3A_27 = vector.broadcast %broadcast_in_dim3A_26 : i32 to vector<2x16xi32>
    %slice3A_28 = vector.extract_strided_slice %add3A_25 {offsets = [0, 0], sizes = [2046, 16], strides = [1, 1]} : vector<2048x16xi32> to vector<2046x16xi32>
    %concatenate3A_29 = tpu.concatenate %broadcast_in_dim3A_27, %slice3A_28 in 0 : vector<2x16xi32>, vector<2046x16xi32> -> vector<2048x16xi32>
    %add3A_30 = arith.addi %add3A_25, %concatenate3A_29 : vector<2048x16xi32>
    %broadcast_in_dim3A_31 = arith.constant 0 : i32
    %broadcast_in_dim3A_32 = vector.broadcast %broadcast_in_dim3A_31 : i32 to vector<4x16xi32>
    %slice3A_33 = vector.extract_strided_slice %add3A_30 {offsets = [0, 0], sizes = [2044, 16], strides = [1, 1]} : vector<2048x16xi32> to vector<2044x16xi32>
    %concatenate3A_34 = tpu.concatenate %broadcast_in_dim3A_32, %slice3A_33 in 0 : vector<4x16xi32>, vector<2044x16xi32> -> vector<2048x16xi32>
    %add3A_35 = arith.addi %add3A_30, %concatenate3A_34 : vector<2048x16xi32>
    %broadcast_in_dim3A_36 = arith.constant 0 : i32
    %broadcast_in_dim3A_37 = vector.broadcast %broadcast_in_dim3A_36 : i32 to vector<8x16xi32>
    %slice3A_38 = vector.extract_strided_slice %add3A_35 {offsets = [0, 0], sizes = [2040, 16], strides = [1, 1]} : vector<2048x16xi32> to vector<2040x16xi32>
    %concatenate3A_39 = tpu.concatenate %broadcast_in_dim3A_37, %slice3A_38 in 0 : vector<8x16xi32>, vector<2040x16xi32> -> vector<2048x16xi32>
    %add3A_40 = arith.addi %add3A_35, %concatenate3A_39 : vector<2048x16xi32>
    %broadcast_in_dim3A_41 = arith.constant 0 : i32
    %broadcast_in_dim3A_42 = vector.broadcast %broadcast_in_dim3A_41 : i32 to vector<16x16xi32>
    %slice3A_43 = vector.extract_strided_slice %add3A_40 {offsets = [0, 0], sizes = [2032, 16], strides = [1, 1]} : vector<2048x16xi32> to vector<2032x16xi32>
    %concatenate3A_44 = tpu.concatenate %broadcast_in_dim3A_42, %slice3A_43 in 0 : vector<16x16xi32>, vector<2032x16xi32> -> vector<2048x16xi32>
    %add3A_45 = arith.addi %add3A_40, %concatenate3A_44 : vector<2048x16xi32>
    %broadcast_in_dim3A_46 = arith.constant 0 : i32
    %broadcast_in_dim3A_47 = vector.broadcast %broadcast_in_dim3A_46 : i32 to vector<32x16xi32>
    %slice3A_48 = vector.extract_strided_slice %add3A_45 {offsets = [0, 0], sizes = [2016, 16], strides = [1, 1]} : vector<2048x16xi32> to vector<2016x16xi32>
    %concatenate3A_49 = tpu.concatenate %broadcast_in_dim3A_47, %slice3A_48 in 0 : vector<32x16xi32>, vector<2016x16xi32> -> vector<2048x16xi32>
    %add3A_50 = arith.addi %add3A_45, %concatenate3A_49 : vector<2048x16xi32>
    %broadcast_in_dim3A_51 = arith.constant 0 : i32
    %broadcast_in_dim3A_52 = vector.broadcast %broadcast_in_dim3A_51 : i32 to vector<64x16xi32>
    %slice3A_53 = vector.extract_strided_slice %add3A_50 {offsets = [0, 0], sizes = [1984, 16], strides = [1, 1]} : vector<2048x16xi32> to vector<1984x16xi32>
    %concatenate3A_54 = tpu.concatenate %broadcast_in_dim3A_52, %slice3A_53 in 0 : vector<64x16xi32>, vector<1984x16xi32> -> vector<2048x16xi32>
    %add3A_55 = arith.addi %add3A_50, %concatenate3A_54 : vector<2048x16xi32>
    %broadcast_in_dim3A_56 = arith.constant 0 : i32
    %broadcast_in_dim3A_57 = vector.broadcast %broadcast_in_dim3A_56 : i32 to vector<128x16xi32>
    %slice3A_58 = vector.extract_strided_slice %add3A_55 {offsets = [0, 0], sizes = [1920, 16], strides = [1, 1]} : vector<2048x16xi32> to vector<1920x16xi32>
    %concatenate3A_59 = tpu.concatenate %broadcast_in_dim3A_57, %slice3A_58 in 0 : vector<128x16xi32>, vector<1920x16xi32> -> vector<2048x16xi32>
    %add3A_60 = arith.addi %add3A_55, %concatenate3A_59 : vector<2048x16xi32>
    %broadcast_in_dim3A_61 = arith.constant 0 : i32
    %broadcast_in_dim3A_62 = vector.broadcast %broadcast_in_dim3A_61 : i32 to vector<256x16xi32>
    %slice3A_63 = vector.extract_strided_slice %add3A_60 {offsets = [0, 0], sizes = [1792, 16], strides = [1, 1]} : vector<2048x16xi32> to vector<1792x16xi32>
    %concatenate3A_64 = tpu.concatenate %broadcast_in_dim3A_62, %slice3A_63 in 0 : vector<256x16xi32>, vector<1792x16xi32> -> vector<2048x16xi32>
    %add3A_65 = arith.addi %add3A_60, %concatenate3A_64 : vector<2048x16xi32>
    %broadcast_in_dim3A_66 = arith.constant 0 : i32
    %broadcast_in_dim3A_67 = vector.broadcast %broadcast_in_dim3A_66 : i32 to vector<512x16xi32>
    %slice3A_68 = vector.extract_strided_slice %add3A_65 {offsets = [0, 0], sizes = [1536, 16], strides = [1, 1]} : vector<2048x16xi32> to vector<1536x16xi32>
    %concatenate3A_69 = tpu.concatenate %broadcast_in_dim3A_67, %slice3A_68 in 0 : vector<512x16xi32>, vector<1536x16xi32> -> vector<2048x16xi32>
    %add3A_70 = arith.addi %add3A_65, %concatenate3A_69 : vector<2048x16xi32>
    %broadcast_in_dim3A_71 = arith.constant 0 : i32
    %broadcast_in_dim3A_72 = vector.broadcast %broadcast_in_dim3A_71 : i32 to vector<1024x16xi32>
    %slice3A_73 = vector.extract_strided_slice %add3A_70 {offsets = [0, 0], sizes = [1024, 16], strides = [1, 1]} : vector<2048x16xi32> to vector<1024x16xi32>
    %concatenate3A_74 = tpu.concatenate %broadcast_in_dim3A_72, %slice3A_73 in 0 : vector<1024x16xi32>, vector<1024x16xi32> -> vector<2048x16xi32>
    %add3A_75 = arith.addi %add3A_70, %concatenate3A_74 : vector<2048x16xi32>
    %slice3A_76 = vector.extract_strided_slice %add3A_75 {offsets = [2047, 0], sizes = [1, 16], strides = [1, 1]} : vector<2048x16xi32> to vector<1x16xi32>
    %broadcast_in_dim3A_77 = arith.constant 0 : i32
    %broadcast_in_dim3A_78 = vector.broadcast %broadcast_in_dim3A_77 : i32 to vector<1x1xi32>
    %slice3A_79 = vector.extract_strided_slice %slice3A_76 {offsets = [0, 0], sizes = [1, 15], strides = [1, 1]} : vector<1x16xi32> to vector<1x15xi32>
    %concatenate3A_80 = tpu.concatenate %broadcast_in_dim3A_78, %slice3A_79 in 1 : vector<1x1xi32>, vector<1x15xi32> -> vector<1x16xi32>
    %add3A_81 = arith.addi %slice3A_76, %concatenate3A_80 : vector<1x16xi32>
    %broadcast_in_dim3A_82 = arith.constant 0 : i32
    %broadcast_in_dim3A_83 = vector.broadcast %broadcast_in_dim3A_82 : i32 to vector<1x2xi32>
    %slice3A_84 = vector.extract_strided_slice %add3A_81 {offsets = [0, 0], sizes = [1, 14], strides = [1, 1]} : vector<1x16xi32> to vector<1x14xi32>
    %concatenate3A_85 = tpu.concatenate %broadcast_in_dim3A_83, %slice3A_84 in 1 : vector<1x2xi32>, vector<1x14xi32> -> vector<1x16xi32>
    %add3A_86 = arith.addi %add3A_81, %concatenate3A_85 : vector<1x16xi32>
    %broadcast_in_dim3A_87 = arith.constant 0 : i32
    %broadcast_in_dim3A_88 = vector.broadcast %broadcast_in_dim3A_87 : i32 to vector<1x4xi32>
    %slice3A_89 = vector.extract_strided_slice %add3A_86 {offsets = [0, 0], sizes = [1, 12], strides = [1, 1]} : vector<1x16xi32> to vector<1x12xi32>
    %concatenate3A_90 = tpu.concatenate %broadcast_in_dim3A_88, %slice3A_89 in 1 : vector<1x4xi32>, vector<1x12xi32> -> vector<1x16xi32>
    %add3A_91 = arith.addi %add3A_86, %concatenate3A_90 : vector<1x16xi32>
    %broadcast_in_dim3A_92 = arith.constant 0 : i32
    %broadcast_in_dim3A_93 = vector.broadcast %broadcast_in_dim3A_92 : i32 to vector<1x8xi32>
    %slice3A_94 = vector.extract_strided_slice %add3A_91 {offsets = [0, 0], sizes = [1, 8], strides = [1, 1]} : vector<1x16xi32> to vector<1x8xi32>
    %concatenate3A_95 = tpu.concatenate %broadcast_in_dim3A_93, %slice3A_94 in 1 : vector<1x8xi32>, vector<1x8xi32> -> vector<1x16xi32>
    %add3A_96 = arith.addi %add3A_91, %concatenate3A_95 : vector<1x16xi32>
    %sub3A_97 = arith.subi %add3A_96, %slice3A_76 : vector<1x16xi32>
    %add3A_98 = vector.broadcast %sub3A_97 : vector<1x16xi32> to vector<2048x16xi32>
    %add3A_99 = arith.addi %add3A_98, %add3A_75 : vector<2048x16xi32>
    %sub3A_100 = arith.constant 1 : i32
    %sub3A_101 = vector.broadcast %sub3A_100 : i32 to vector<2048x16xi32>
    %sub3A_102 = arith.subi %add3A_99, %sub3A_101 : vector<2048x16xi32>
    %mul3A = arith.muli %convert_element_type3A, %sub3A_102 : vector<2048x16xi32>
    %reduce_sum3A_103 = arith.constant dense<0> : vector<2048xi32>
    %reduce_sum3A_104 = vector.multi_reduction <add>, %mul3A, %reduce_sum3A_103 [1] : vector<2048x16xi32> to vector<2048xi32>
    %broadcast_in_dim3A_105 = vector.shape_cast %reduce_sum3A_104 : vector<2048xi32> to vector<2048x1xi32>
    %swap3A_106 = arith.constant 0 : index
    %swap3A_107 = arith.constant 0 : index
    %swap3A_108 = vector.load %arg4[%swap3A_106, %swap3A_107] : memref<2048x1xi32, #tpu.memory_space<vmem>>, vector<2048x1xi32>
    tpu.vector_store %arg4[%swap3A_106, %swap3A_107], %broadcast_in_dim3A_105 {strides = array<i32>} : memref<2048x1xi32, #tpu.memory_space<vmem>>, vector<2048x1xi32>,
    %iota3A_109 = tpu.iota {dimensions = array<i32: 0>} : vector<2048x16xi32>
    %ge3A = vector.broadcast %add3A_96 : vector<1x16xi32> to vector<2048x16xi32>
    %ge3A_110 = arith.cmpi sge, %iota3A_109, %ge3A : vector<2048x16xi32>
    %convert_element_type3A_111 = arith.extui %ge3A_110 : vector<2048x16xi1> to vector<2048x16xi32>
    %reduce_sum3A_112 = arith.constant dense<0> : vector<2048xi32>
    %reduce_sum3A_113 = vector.multi_reduction <add>, %convert_element_type3A_111, %reduce_sum3A_112 [1] : vector<2048x16xi32> to vector<2048xi32>
    %broadcast_in_dim3A_114 = vector.shape_cast %reduce_sum3A_113 : vector<2048xi32> to vector<2048x1xi32>
    %swap3A_115 = arith.constant 0 : index
    %swap3A_116 = arith.constant 0 : index
    %swap3A_117 = vector.load %arg5[%swap3A_115, %swap3A_116] : memref<2048x1xi32, #tpu.memory_space<vmem>>, vector<2048x1xi32>
    tpu.vector_store %arg5[%swap3A_115, %swap3A_116], %broadcast_in_dim3A_114 {strides = array<i32>} : memref<2048x1xi32, #tpu.memory_space<vmem>>, vector<2048x1xi32>,
    %gt3A = arith.constant 0 : i32
    %gt3A_118 = vector.broadcast %gt3A : i32 to vector<1x16xi32>
    %gt3A_119 = arith.cmpi sgt, %slice3A_76, %gt3A_118 : vector<1x16xi32>
    %jit3A_120 = arith.constant 256 : i32
    %div3A_121 = vector.broadcast %jit3A_120 : i32 to vector<1x16xi32>
    %div3A_122 = arith.divsi %sub3A_97, %div3A_121 : vector<1x16xi32>
    %sign3A = arith.constant 0 : i32
    %sign3A_123 = vector.broadcast %sign3A : i32 to vector<1x16xi32>
    %sign3A_124 = arith.cmpi sgt, %sub3A_97, %sign3A_123 : vector<1x16xi32>
    %sign3A_125 = arith.extui %sign3A_124 : vector<1x16xi1> to vector<1x16xi32>
    %sign3A_126 = arith.constant 0 : i32
    %sign3A_127 = vector.broadcast %sign3A_126 : i32 to vector<1x16xi32>
    %sign3A_128 = arith.cmpi slt, %sub3A_97, %sign3A_127 : vector<1x16xi32>
    %sign3A_129 = arith.extui %sign3A_128 : vector<1x16xi1> to vector<1x16xi32>
    %sign3A_130 = arith.subi %sign3A_125, %sign3A_129 : vector<1x16xi32>
    %sign3A_131 = arith.constant 0 : i32
    %sign3A_132 = arith.cmpi sgt, %jit3A_120, %sign3A_131 : i32
    %sign3A_133 = arith.extui %sign3A_132 : i1 to i32
    %sign3A_134 = arith.constant 0 : i32
    %sign3A_135 = arith.cmpi slt, %jit3A_120, %sign3A_134 : i32
    %sign3A_136 = arith.extui %sign3A_135 : i1 to i32
    %sign3A_137 = arith.subi %sign3A_133, %sign3A_136 : i32
    %ne3A = vector.broadcast %sign3A_137 : i32 to vector<1x16xi32>
    %ne3A_138 = arith.cmpi ne, %sign3A_130, %ne3A : vector<1x16xi32>
    %rem3A = vector.broadcast %jit3A_120 : i32 to vector<1x16xi32>
    %rem3A_139 = arith.remsi %sub3A_97, %rem3A : vector<1x16xi32>
    %ne3A_140 = arith.constant 0 : i32
    %ne3A_141 = vector.broadcast %ne3A_140 : i32 to vector<1x16xi32>
    %ne3A_142 = arith.cmpi ne, %rem3A_139, %ne3A_141 : vector<1x16xi32>
    %and3A = arith.andi %ne3A_138, %ne3A_142 : vector<1x16xi1>
    %sub3A_143 = arith.constant 1 : i32
    %sub3A_144 = vector.broadcast %sub3A_143 : i32 to vector<1x16xi32>
    %sub3A_145 = arith.subi %div3A_122, %sub3A_144 : vector<1x16xi32>
    %select_n3A_146 = arith.select %and3A, %sub3A_145, %div3A_122 : vector<1x16xi1>, vector<1x16xi32>
    %jit3A_147 = arith.constant 0 : i32
    %broadcast_in_dim3A_148 = vector.broadcast %jit3A_147 : i32 to vector<1x16xi32>
    %select_n3A_149 = arith.select %gt3A_119, %select_n3A_146, %broadcast_in_dim3A_148 : vector<1x16xi1>, vector<1x16xi32>
    %add3A_150 = arith.addi %sub3A_97, %slice3A_76 : vector<1x16xi32>
    %sub3A_151 = arith.constant 1 : i32
    %sub3A_152 = vector.broadcast %sub3A_151 : i32 to vector<1x16xi32>
    %sub3A_153 = arith.subi %add3A_150, %sub3A_152 : vector<1x16xi32>
    %jit3A_154 = arith.constant 256 : i32
    %div3A_155 = vector.broadcast %jit3A_154 : i32 to vector<1x16xi32>
    %div3A_156 = arith.divsi %sub3A_153, %div3A_155 : vector<1x16xi32>
    %sign3A_157 = arith.constant 0 : i32
    %sign3A_158 = vector.broadcast %sign3A_157 : i32 to vector<1x16xi32>
    %sign3A_159 = arith.cmpi sgt, %sub3A_153, %sign3A_158 : vector<1x16xi32>
    %sign3A_160 = arith.extui %sign3A_159 : vector<1x16xi1> to vector<1x16xi32>
    %sign3A_161 = arith.constant 0 : i32
    %sign3A_162 = vector.broadcast %sign3A_161 : i32 to vector<1x16xi32>
    %sign3A_163 = arith.cmpi slt, %sub3A_153, %sign3A_162 : vector<1x16xi32>
    %sign3A_164 = arith.extui %sign3A_163 : vector<1x16xi1> to vector<1x16xi32>
    %sign3A_165 = arith.subi %sign3A_160, %sign3A_164 : vector<1x16xi32>
    %sign3A_166 = arith.constant 0 : i32
    %sign3A_167 = arith.cmpi sgt, %jit3A_154, %sign3A_166 : i32
    %sign3A_168 = arith.extui %sign3A_167 : i1 to i32
    %sign3A_169 = arith.constant 0 : i32
    %sign3A_170 = arith.cmpi slt, %jit3A_154, %sign3A_169 : i32
    %sign3A_171 = arith.extui %sign3A_170 : i1 to i32
    %sign3A_172 = arith.subi %sign3A_168, %sign3A_171 : i32
    %ne3A_173 = vector.broadcast %sign3A_172 : i32 to vector<1x16xi32>
    %ne3A_174 = arith.cmpi ne, %sign3A_165, %ne3A_173 : vector<1x16xi32>
    %rem3A_175 = vector.broadcast %jit3A_154 : i32 to vector<1x16xi32>
    %rem3A_176 = arith.remsi %sub3A_153, %rem3A_175 : vector<1x16xi32>
    %ne3A_177 = arith.constant 0 : i32
    %ne3A_178 = vector.broadcast %ne3A_177 : i32 to vector<1x16xi32>
    %ne3A_179 = arith.cmpi ne, %rem3A_176, %ne3A_178 : vector<1x16xi32>
    %and3A_180 = arith.andi %ne3A_174, %ne3A_179 : vector<1x16xi1>
    %sub3A_181 = arith.constant 1 : i32
    %sub3A_182 = vector.broadcast %sub3A_181 : i32 to vector<1x16xi32>
    %sub3A_183 = arith.subi %div3A_156, %sub3A_182 : vector<1x16xi32>
    %select_n3A_184 = arith.select %and3A_180, %sub3A_183, %div3A_156 : vector<1x16xi1>, vector<1x16xi32>
    %jit3A_185 = arith.constant 0 : i32
    %broadcast_in_dim3A_186 = vector.broadcast %jit3A_185 : i32 to vector<1x16xi32>
    %select_n3A_187 = arith.select %gt3A_119, %select_n3A_184, %broadcast_in_dim3A_186 : vector<1x16xi1>, vector<1x16xi32>
    %sub3A_188 = arith.subi %select_n3A_187, %select_n3A_149 : vector<1x16xi32>
    %add3A_189 = arith.constant 1 : i32
    %add3A_190 = vector.broadcast %add3A_189 : i32 to vector<1x16xi32>
    %add3A_191 = arith.addi %sub3A_188, %add3A_190 : vector<1x16xi32>
    %jit3A_192 = arith.constant 0 : i32
    %broadcast_in_dim3A_193 = vector.broadcast %jit3A_192 : i32 to vector<1x16xi32>
    %select_n3A_194 = arith.select %gt3A_119, %add3A_191, %broadcast_in_dim3A_193 : vector<1x16xi1>, vector<1x16xi32>
    %broadcast_in_dim3A_195 = arith.constant 0 : i32
    %broadcast_in_dim3A_196 = vector.broadcast %broadcast_in_dim3A_195 : i32 to vector<1x1xi32>
    %slice3A_197 = vector.extract_strided_slice %select_n3A_194 {offsets = [0, 0], sizes = [1, 15], strides = [1, 1]} : vector<1x16xi32> to vector<1x15xi32>
    %concatenate3A_198 = tpu.concatenate %broadcast_in_dim3A_196, %slice3A_197 in 1 : vector<1x1xi32>, vector<1x15xi32> -> vector<1x16xi32>
    %add3A_199 = arith.addi %select_n3A_194, %concatenate3A_198 : vector<1x16xi32>
    %broadcast_in_dim3A_200 = arith.constant 0 : i32
    %broadcast_in_dim3A_201 = vector.broadcast %broadcast_in_dim3A_200 : i32 to vector<1x2xi32>
    %slice3A_202 = vector.extract_strided_slice %add3A_199 {offsets = [0, 0], sizes = [1, 14], strides = [1, 1]} : vector<1x16xi32> to vector<1x14xi32>
    %concatenate3A_203 = tpu.concatenate %broadcast_in_dim3A_201, %slice3A_202 in 1 : vector<1x2xi32>, vector<1x14xi32> -> vector<1x16xi32>
    %add3A_204 = arith.addi %add3A_199, %concatenate3A_203 : vector<1x16xi32>
    %broadcast_in_dim3A_205 = arith.constant 0 : i32
    %broadcast_in_dim3A_206 = vector.broadcast %broadcast_in_dim3A_205 : i32 to vector<1x4xi32>
    %slice3A_207 = vector.extract_strided_slice %add3A_204 {offsets = [0, 0], sizes = [1, 12], strides = [1, 1]} : vector<1x16xi32> to vector<1x12xi32>
    %concatenate3A_208 = tpu.concatenate %broadcast_in_dim3A_206, %slice3A_207 in 1 : vector<1x4xi32>, vector<1x12xi32> -> vector<1x16xi32>
    %add3A_209 = arith.addi %add3A_204, %concatenate3A_208 : vector<1x16xi32>
    %broadcast_in_dim3A_210 = arith.constant 0 : i32
    %broadcast_in_dim3A_211 = vector.broadcast %broadcast_in_dim3A_210 : i32 to vector<1x8xi32>
    %slice3A_212 = vector.extract_strided_slice %add3A_209 {offsets = [0, 0], sizes = [1, 8], strides = [1, 1]} : vector<1x16xi32> to vector<1x8xi32>
    %concatenate3A_213 = tpu.concatenate %broadcast_in_dim3A_211, %slice3A_212 in 1 : vector<1x8xi32>, vector<1x8xi32> -> vector<1x16xi32>
    %add3A_214 = arith.addi %add3A_209, %concatenate3A_213 : vector<1x16xi32>
    %sub3A_215 = arith.subi %add3A_214, %select_n3A_194 : vector<1x16xi32>
    %iota3A_216 = tpu.iota {dimensions = array<i32: 0>} : vector<23x16xi32>
    %ge3A_217 = vector.broadcast %sub3A_215 : vector<1x16xi32> to vector<23x16xi32>
    %ge3A_218 = arith.cmpi sge, %iota3A_216, %ge3A_217 : vector<23x16xi32>
    %lt3A = vector.broadcast %add3A_214 : vector<1x16xi32> to vector<23x16xi32>
    %lt3A_219 = arith.cmpi slt, %iota3A_216, %lt3A : vector<23x16xi32>
    %and3A_220 = arith.andi %ge3A_218, %lt3A_219 : vector<23x16xi1>
    %iota3A_221 = tpu.iota {dimensions = array<i32: 1>} : vector<23x16xi32>
    %jit3A_222 = arith.constant 0 : i32
    %broadcast_in_dim3A_223 = vector.broadcast %jit3A_222 : i32 to vector<23x16xi32>
    %select_n3A_224 = arith.select %and3A_220, %iota3A_221, %broadcast_in_dim3A_223 : vector<23x16xi1>, vector<23x16xi32>
    %reduce_sum3A_225 = arith.constant dense<0> : vector<23xi32>
    %reduce_sum3A_226 = vector.multi_reduction <add>, %select_n3A_224, %reduce_sum3A_225 [1] : vector<23x16xi32> to vector<23xi32>
    %broadcast_in_dim3A_227 = vector.shape_cast %reduce_sum3A_226 : vector<23xi32> to vector<23x1xi32>
    %sub3A_228 = vector.broadcast %sub3A_215 : vector<1x16xi32> to vector<23x16xi32>
    %sub3A_229 = arith.subi %iota3A_216, %sub3A_228 : vector<23x16xi32>
    %add3A_230 = vector.broadcast %select_n3A_149 : vector<1x16xi32> to vector<23x16xi32>
    %add3A_231 = arith.addi %add3A_230, %sub3A_229 : vector<23x16xi32>
    %jit3A_232 = arith.constant 0 : i32
    %broadcast_in_dim3A_233 = vector.broadcast %jit3A_232 : i32 to vector<23x16xi32>
    %select_n3A_234 = arith.select %and3A_220, %add3A_231, %broadcast_in_dim3A_233 : vector<23x16xi1>, vector<23x16xi32>
    %reduce_sum3A_235 = arith.constant dense<0> : vector<23xi32>
    %reduce_sum3A_236 = vector.multi_reduction <add>, %select_n3A_234, %reduce_sum3A_235 [1] : vector<23x16xi32> to vector<23xi32>
    %broadcast_in_dim3A_237 = vector.shape_cast %reduce_sum3A_236 : vector<23xi32> to vector<23x1xi32>
    %convert_element_type3A_238 = arith.extui %and3A_220 : vector<23x16xi1> to vector<23x16xi32>
    %reduce_sum3A_239 = arith.constant dense<0> : vector<23xi32>
    %reduce_sum3A_240 = vector.multi_reduction <add>, %convert_element_type3A_238, %reduce_sum3A_239 [1] : vector<23x16xi32> to vector<23xi32>
    %broadcast_in_dim3A_241 = vector.shape_cast %reduce_sum3A_240 : vector<23xi32> to vector<23x1xi32>
    %le3A = arith.constant 2047 : i32
    %le3A_242 = vector.broadcast %le3A : i32 to vector<1x16xi32>
    %le3A_243 = arith.cmpi sle, %add3A_96, %le3A_242 : vector<1x16xi32>
    %convert_element_type3A_244 = arith.extui %le3A_243 : vector<1x16xi1> to vector<1x16xi32>
    %reduce_sum3A_245 = arith.constant dense<0> : vector<1xi32>
    %reduce_sum3A_246 = vector.multi_reduction <add>, %convert_element_type3A_244, %reduce_sum3A_245 [1] : vector<1x16xi32> to vector<1xi32>
    %broadcast_in_dim3A_247 = vector.shape_cast %reduce_sum3A_246 : vector<1xi32> to vector<1x1xi32>
    %gt3A_248 = arith.constant 0 : i32
    %gt3A_249 = vector.broadcast %gt3A_248 : i32 to vector<23x1xi32>
    %gt3A_250 = arith.cmpi sgt, %broadcast_in_dim3A_241, %gt3A_249 : vector<23x1xi32>
    %jit3A_251 = arith.constant 7 : i32
    %broadcast_in_dim3A_252 = vector.broadcast %jit3A_251 : i32 to vector<23x1xi32>
    %select_n3A_253 = arith.select %gt3A_250, %broadcast_in_dim3A_237, %broadcast_in_dim3A_252 : vector<23x1xi1>, vector<23x1xi32>
    %swap3A_254 = arith.constant 0 : index
    %swap3A_255 = arith.constant 0 : index
    %swap3A_256 = vector.load %arg6[%swap3A_254, %swap3A_255] : memref<23x1xi32, #tpu.memory_space<vmem>>, vector<23x1xi32>
    tpu.vector_store %arg6[%swap3A_254, %swap3A_255], %select_n3A_253 {strides = array<i32>} : memref<23x1xi32, #tpu.memory_space<vmem>>, vector<23x1xi32>,
    %broadcast_in_dim3A_257 = vector.shape_cast %broadcast_in_dim3A_247 : vector<1x1xi32> to vector<1x1xi32>
    %broadcast_in_dim3A_258 = vector.broadcast %broadcast_in_dim3A_257 : vector<1x1xi32> to vector<23x1xi32>
    %select_n3A_259 = arith.select %gt3A_250, %broadcast_in_dim3A_227, %broadcast_in_dim3A_258 : vector<23x1xi1>, vector<23x1xi32>
    %swap3A_260 = arith.constant 0 : index
    %swap3A_261 = arith.constant 0 : index
    %swap3A_262 = vector.load %arg7[%swap3A_260, %swap3A_261] : memref<23x1xi32, #tpu.memory_space<vmem>>, vector<23x1xi32>
    tpu.vector_store %arg7[%swap3A_260, %swap3A_261], %select_n3A_259 {strides = array<i32>} : memref<23x1xi32, #tpu.memory_space<vmem>>, vector<23x1xi32>,
    %swap3A_263 = arith.constant 0 : index
    %swap3A_264 = arith.constant 0 : index
    %swap3A_265 = vector.load %arg8[%swap3A_263, %swap3A_264] : memref<23x1xi32, #tpu.memory_space<vmem>>, vector<23x1xi32>
    tpu.vector_store %arg8[%swap3A_263, %swap3A_264], %broadcast_in_dim3A_241 {strides = array<i32>} : memref<23x1xi32, #tpu.memory_space<vmem>>, vector<23x1xi32>,
    return
  }
}

module attributes {stable_mosaic.version = 14 : i64} {
  func.func @_moe_body(%arg0: i32, %arg1: memref<23xi32, #tpu.memory_space<smem>>, %arg2: memref<23xi32, #tpu.memory_space<smem>>, %arg3: memref<23xi32, #tpu.memory_space<smem>>, %arg4: memref<256x768xf32, #tpu.memory_space<vmem>>, %arg5: memref<1x512x768xf32, #tpu.memory_space<vmem>>, %arg6: memref<1x1x512xf32, #tpu.memory_space<vmem>>, %arg7: memref<1x768x512xf32, #tpu.memory_space<vmem>>, %arg8: memref<1x1x768xf32, #tpu.memory_space<vmem>>, %arg9: memref<1x256x1xi32, #tpu.memory_space<vmem>>, %arg10: memref<256x768xf32, #tpu.memory_space<vmem>>) attributes {dimension_semantics = [#tpu.dimension_semantics<arbitrary>], iteration_bounds = array<i64: 23>, scalar_prefetch = 3 : i64, scratch_operands = 0 : i64, tpu.core_type = #tpu.core_type<tc>, window_params = [{transform_indices = @transform_0, window_bounds = array<i64: 256, 768>}, {transform_indices = @transform_1, window_bounds = array<i64: 1, 512, 768>}, {transform_indices = @transform_2, window_bounds = array<i64: 1, 1, 512>}, {transform_indices = @transform_3, window_bounds = array<i64: 1, 768, 512>}, {transform_indices = @transform_4, window_bounds = array<i64: 1, 1, 768>}, {transform_indices = @transform_5, window_bounds = array<i64: 1, 256, 1>}, {transform_indices = @transform_6, window_bounds = array<i64: 256, 768>}]} {
    %sub3A = arith.constant 1 : i32
    %sub3A_0 = arith.subi %arg0, %sub3A : i32
    %max3A = arith.constant 0 : i32
    %max3A_1 = arith.maxsi %sub3A_0, %max3A : i32
    %get3A = arith.index_cast %max3A_1 : i32 to index
    %get3A_2 = memref.load %arg1[%get3A] : memref<23xi32, #tpu.memory_space<smem>>
    %eq3A = arith.constant 0 : i32
    %eq3A_3 = arith.cmpi eq, %arg0, %eq3A : i32
    %get3A_4 = arith.index_cast %arg0 : i32 to index
    %get3A_5 = memref.load %arg1[%get3A_4] : memref<23xi32, #tpu.memory_space<smem>>
    %ne3A = arith.cmpi ne, %get3A_5, %get3A_2 : i32
    %or3A = arith.ori %eq3A_3, %ne3A : i1
    %convert_element_type3A = arith.extui %or3A : i1 to i32
    %cond3A = arith.constant 0 : i32
    %cond3A_6 = arith.cmpi ne, %convert_element_type3A, %cond3A : i32
    scf.if %cond3A_6 {
      %broadcast_in_dim3A = arith.constant 0.000000e+00 : f32
      %broadcast_in_dim3A_13 = vector.broadcast %broadcast_in_dim3A : f32 to vector<256x768xf32>
      %swap3A = arith.constant 0 : index
      %swap3A_14 = arith.constant 0 : index
      %swap3A_15 = vector.load %arg10[%swap3A, %swap3A_14] : memref<256x768xf32, #tpu.memory_space<vmem>>, vector<256x768xf32>
      tpu.vector_store %arg10[%swap3A, %swap3A_14], %broadcast_in_dim3A_13 {strides = array<i32>} : memref<256x768xf32, #tpu.memory_space<vmem>>, vector<256x768xf32>,
    } else {
    }
    %get3A_7 = arith.index_cast %arg0 : i32 to index
    %get3A_8 = memref.load %arg3[%get3A_7] : memref<23xi32, #tpu.memory_space<smem>>
    %gt3A = arith.constant 0 : i32
    %gt3A_9 = arith.cmpi sgt, %get3A_8, %gt3A : i32
    %convert_element_type3A_10 = arith.extui %gt3A_9 : i1 to i32
    %cond3A_11 = arith.constant 0 : i32
    %cond3A_12 = arith.cmpi ne, %convert_element_type3A_10, %cond3A_11 : i32
    scf.if %cond3A_12 {
      %get3A_13 = arith.constant 0 : index
      %get3A_14 = arith.constant 0 : index
      %get3A_15 = vector.load %arg4[%get3A_13, %get3A_14] : memref<256x768xf32, #tpu.memory_space<vmem>>, vector<256x768xf32>
      %get3A_16 = arith.constant 0 : index
      %get3A_17 = arith.constant 0 : index
      %get3A_18 = arith.constant 0 : index
      %get3A_19 = vector.load %arg5[%get3A_16, %get3A_17, %get3A_18] : memref<1x512x768xf32, #tpu.memory_space<vmem>>, vector<1x512x768xf32>
      %get3A_20 = vector.shape_cast %get3A_19 : vector<1x512x768xf32> to vector<512x768xf32>
      %dot_general3A = arith.constant dense<0.000000e+00> : vector<256x512xf32>
      %dot_general3A_21 = tpu.matmul %get3A_15, %get3A_20, %dot_general3A {dimension_numbers = #tpu.dot_dimension_numbers<[1], [1], [0], [0], [0, 0, 1, 0], [], []>, transpose_lhs_hint = false} : vector<256x768xf32>, vector<512x768xf32>, vector<256x512xf32> -> vector<256x512xf32>
      %get3A_22 = arith.constant 0 : index
      %get3A_23 = arith.constant 0 : index
      %get3A_24 = arith.constant 0 : index
      %get3A_25 = vector.load %arg6[%get3A_22, %get3A_23, %get3A_24] : memref<1x1x512xf32, #tpu.memory_space<vmem>>, vector<1x1x512xf32>
      %get3A_26 = vector.shape_cast %get3A_25 : vector<1x1x512xf32> to vector<1x512xf32>
      %add3A = vector.broadcast %get3A_26 : vector<1x512xf32> to vector<256x512xf32>
      %add3A_27 = arith.addf %dot_general3A_21, %add3A : vector<256x512xf32>
      %mul3A = arith.constant 5.000000e-01 : f32
      %mul3A_28 = vector.broadcast %mul3A : f32 to vector<256x512xf32>
      %mul3A_29 = arith.mulf %mul3A_28, %add3A_27 : vector<256x512xf32>
      %mul3A_30 = arith.constant 0.707106769 : f32
      %mul3A_31 = vector.broadcast %mul3A_30 : f32 to vector<256x512xf32>
      %mul3A_32 = arith.mulf %add3A_27, %mul3A_31 : vector<256x512xf32>
      %erf3A = math.erf %mul3A_32 : vector<256x512xf32>
      %add3A_33 = arith.constant 1.000000e+00 : f32
      %add3A_34 = vector.broadcast %add3A_33 : f32 to vector<256x512xf32>
      %add3A_35 = arith.addf %add3A_34, %erf3A : vector<256x512xf32>
      %mul3A_36 = arith.mulf %mul3A_29, %add3A_35 : vector<256x512xf32>
      %get3A_37 = arith.constant 0 : index
      %get3A_38 = arith.constant 0 : index
      %get3A_39 = arith.constant 0 : index
      %get3A_40 = vector.load %arg7[%get3A_37, %get3A_38, %get3A_39] : memref<1x768x512xf32, #tpu.memory_space<vmem>>, vector<1x768x512xf32>
      %get3A_41 = vector.shape_cast %get3A_40 : vector<1x768x512xf32> to vector<768x512xf32>
      %dot_general3A_42 = arith.constant dense<0.000000e+00> : vector<256x768xf32>
      %dot_general3A_43 = tpu.matmul %mul3A_36, %get3A_41, %dot_general3A_42 {dimension_numbers = #tpu.dot_dimension_numbers<[1], [1], [0], [0], [0, 0, 1, 0], [], []>, transpose_lhs_hint = false} : vector<256x512xf32>, vector<768x512xf32>, vector<256x768xf32> -> vector<256x768xf32>
      %get3A_44 = arith.constant 0 : index
      %get3A_45 = arith.constant 0 : index
      %get3A_46 = arith.constant 0 : index
      %get3A_47 = vector.load %arg8[%get3A_44, %get3A_45, %get3A_46] : memref<1x1x768xf32, #tpu.memory_space<vmem>>, vector<1x1x768xf32>
      %get3A_48 = vector.shape_cast %get3A_47 : vector<1x1x768xf32> to vector<1x768xf32>
      %add3A_49 = vector.broadcast %get3A_48 : vector<1x768xf32> to vector<256x768xf32>
      %add3A_50 = arith.addf %dot_general3A_43, %add3A_49 : vector<256x768xf32>
      %get3A_51 = arith.constant 0 : index
      %get3A_52 = arith.constant 0 : index
      %get3A_53 = arith.constant 0 : index
      %get3A_54 = vector.load %arg9[%get3A_51, %get3A_52, %get3A_53] : memref<1x256x1xi32, #tpu.memory_space<vmem>>, vector<1x256x1xi32>
      %get3A_55 = vector.shape_cast %get3A_54 : vector<1x256x1xi32> to vector<256x1xi32>
      %get3A_56 = arith.index_cast %arg0 : i32 to index
      %get3A_57 = memref.load %arg2[%get3A_56] : memref<23xi32, #tpu.memory_space<smem>>
      %eq3A_58 = vector.broadcast %get3A_57 : i32 to vector<256x1xi32>
      %eq3A_59 = arith.cmpi eq, %get3A_55, %eq3A_58 : vector<256x1xi32>
      %convert_element_type3A_60 = arith.extui %eq3A_59 : vector<256x1xi1> to vector<256x1xi32>
      %convert_element_type3A_61 = arith.sitofp %convert_element_type3A_60 : vector<256x1xi32> to vector<256x1xf32>
      %get3A_62 = arith.constant 0 : index
      %get3A_63 = arith.constant 0 : index
      %get3A_64 = vector.load %arg10[%get3A_62, %get3A_63] : memref<256x768xf32, #tpu.memory_space<vmem>>, vector<256x768xf32>
      %mul3A_65 = vector.broadcast %convert_element_type3A_61 : vector<256x1xf32> to vector<256x768xf32>
      %mul3A_66 = arith.mulf %add3A_50, %mul3A_65 : vector<256x768xf32>
      %add3A_67 = arith.addf %get3A_64, %mul3A_66 : vector<256x768xf32>
      %swap3A = arith.constant 0 : index
      %swap3A_68 = arith.constant 0 : index
      %swap3A_69 = vector.load %arg10[%swap3A, %swap3A_68] : memref<256x768xf32, #tpu.memory_space<vmem>>, vector<256x768xf32>
      tpu.vector_store %arg10[%swap3A, %swap3A_68], %add3A_67 {strides = array<i32>} : memref<256x768xf32, #tpu.memory_space<vmem>>, vector<256x768xf32>,
    } else {
    }
    return
  }
  func.func @transform_0(%arg0: i32, %arg1: memref<23xi32, #tpu.memory_space<smem>>, %arg2: memref<23xi32, #tpu.memory_space<smem>>, %arg3: memref<23xi32, #tpu.memory_space<smem>>) -> (i32, i32) {
    %get3A = arith.index_cast %arg0 : i32 to index
    %get3A_0 = memref.load %arg1[%get3A] : memref<23xi32, #tpu.memory_space<smem>>
    %c0_i32 = arith.constant 0 : i32
    %c0_i32_1 = arith.constant 0 : i32
    return %get3A_0, %c0_i32 : i32, i32
  }
  func.func @transform_1(%arg0: i32, %arg1: memref<23xi32, #tpu.memory_space<smem>>, %arg2: memref<23xi32, #tpu.memory_space<smem>>, %arg3: memref<23xi32, #tpu.memory_space<smem>>) -> (i32, i32, i32) {
    %get3A = arith.index_cast %arg0 : i32 to index
    %get3A_0 = memref.load %arg2[%get3A] : memref<23xi32, #tpu.memory_space<smem>>
    %c0_i32 = arith.constant 0 : i32
    %c0_i32_1 = arith.constant 0 : i32
    %c0_i32_2 = arith.constant 0 : i32
    return %get3A_0, %c0_i32, %c0_i32_1 : i32, i32, i32
  }
  func.func @transform_2(%arg0: i32, %arg1: memref<23xi32, #tpu.memory_space<smem>>, %arg2: memref<23xi32, #tpu.memory_space<smem>>, %arg3: memref<23xi32, #tpu.memory_space<smem>>) -> (i32, i32, i32) {
    %get3A = arith.index_cast %arg0 : i32 to index
    %get3A_0 = memref.load %arg2[%get3A] : memref<23xi32, #tpu.memory_space<smem>>
    %c0_i32 = arith.constant 0 : i32
    %c0_i32_1 = arith.constant 0 : i32
    %c0_i32_2 = arith.constant 0 : i32
    return %get3A_0, %c0_i32, %c0_i32_1 : i32, i32, i32
  }
  func.func @transform_3(%arg0: i32, %arg1: memref<23xi32, #tpu.memory_space<smem>>, %arg2: memref<23xi32, #tpu.memory_space<smem>>, %arg3: memref<23xi32, #tpu.memory_space<smem>>) -> (i32, i32, i32) {
    %get3A = arith.index_cast %arg0 : i32 to index
    %get3A_0 = memref.load %arg2[%get3A] : memref<23xi32, #tpu.memory_space<smem>>
    %c0_i32 = arith.constant 0 : i32
    %c0_i32_1 = arith.constant 0 : i32
    %c0_i32_2 = arith.constant 0 : i32
    return %get3A_0, %c0_i32, %c0_i32_1 : i32, i32, i32
  }
  func.func @transform_4(%arg0: i32, %arg1: memref<23xi32, #tpu.memory_space<smem>>, %arg2: memref<23xi32, #tpu.memory_space<smem>>, %arg3: memref<23xi32, #tpu.memory_space<smem>>) -> (i32, i32, i32) {
    %get3A = arith.index_cast %arg0 : i32 to index
    %get3A_0 = memref.load %arg2[%get3A] : memref<23xi32, #tpu.memory_space<smem>>
    %c0_i32 = arith.constant 0 : i32
    %c0_i32_1 = arith.constant 0 : i32
    %c0_i32_2 = arith.constant 0 : i32
    return %get3A_0, %c0_i32, %c0_i32_1 : i32, i32, i32
  }
  func.func @transform_5(%arg0: i32, %arg1: memref<23xi32, #tpu.memory_space<smem>>, %arg2: memref<23xi32, #tpu.memory_space<smem>>, %arg3: memref<23xi32, #tpu.memory_space<smem>>) -> (i32, i32, i32) {
    %get3A = arith.index_cast %arg0 : i32 to index
    %get3A_0 = memref.load %arg1[%get3A] : memref<23xi32, #tpu.memory_space<smem>>
    %c0_i32 = arith.constant 0 : i32
    %c0_i32_1 = arith.constant 0 : i32
    %c0_i32_2 = arith.constant 0 : i32
    return %get3A_0, %c0_i32, %c0_i32_1 : i32, i32, i32
  }
  func.func @transform_6(%arg0: i32, %arg1: memref<23xi32, #tpu.memory_space<smem>>, %arg2: memref<23xi32, #tpu.memory_space<smem>>, %arg3: memref<23xi32, #tpu.memory_space<smem>>) -> (i32, i32) {
    %get3A = arith.index_cast %arg0 : i32 to index
    %get3A_0 = memref.load %arg1[%get3A] : memref<23xi32, #tpu.memory_space<smem>>
    %c0_i32 = arith.constant 0 : i32
    %c0_i32_1 = arith.constant 0 : i32
    return %get3A_0, %c0_i32 : i32, i32
  }
}

</mosaic_0001>

<sc_bundles>
// kernel: kernel.6.cloned.1.call-start
scs
__scs_entry_jumppad:
0x0: {  	(pc) =	sbr.rel $0x88, $3  }
0x1: {  	(tag) =	ssettag $0x0;
	lr =	simm.s32 $0x1  }
0x2: {  	[smem:$0x3F9A] =	sst lr;
	_ =	strace $0xD0000000  }
0x3: {  	_ = 	snop  }
0x4: {  	_ = 	snop  }
0x5: {  	_ = 	snop  }
0x6: {  	_ = 	snop  }
0x7: {  	_ = 	snop  }
__scs_overlays_trampoline_lowered:
0x8: {  	[smem:$0x3FA9] =	sst s0  }
0x9: {  	[smem:$0x3FAA] =	sst s1  }
0xa: {  	[smem:$0x3FAB] =	sst s2  }
0xb: {  	[smem:$0x3FAC] =	sst s3  }
0xc: {  	[smem:$0x3FAD] =	sst s4  }
0xd: {  	[smem:$0x3FAE] =	sst s5  }
0xe: {  	[smem:$0x3FAF] =	sst s6  }
0xf: {  	[smem:$0x3FB0] =	sst s7  }
0x10: {  	[smem:$0x3FB1] =	sst s8  }
0x11: {  	[smem:$0x3FB2] =	sst s9;
	s0 =	simm.s32 @!p0 $0x0  }
0x12: {  	s1 =	sld [smem:$0x3F98];
	s0 =	simm.s32 @p0 $0x1  }
0x13: {  	[smem:$0x3FB3] =	sst s0;
	s0 =	simm.s32 @!p1 $0x0  }
0x14: {  	s2 =	sld [smem:$0x3F97];
	s0 =	simm.s32 @p1 $0x1  }
0x15: {  	[smem:$0x3FB4] =	sst s0;
	s0 =	simm.s32 @!p2 $0x0  }
0x16: {  	s3 =	sld [smem:$0x3FDB];
	s0 =	simm.s32 @p2 $0x1  }
0x17: {  	s4 =	simm.s32 $0x1BF5;
	[smem:$0x3FB6] =	sst s0  }
0x18: {  	s0 =	sld [smem:$0x3F99];
	_ =	swait.ge [sflag:s4], $0x0  }
0x19: {  	s7 =	sld [smem:$0x3F9A]  }
0x1a: {  	s8 =	sadd.s32 $0xFFFFE003, lr  }
0x1b: {  	s9 =	sadd.s32 $0xFFFFFEF7, lr;
	s5 =	simm.s32 $0xFFFFFFFF;
	p2 =	slt.u32 s8, $0xFFFFF086  }
0x1c: {  	p1 =	slt.u32 s9, $0xF7A;
	s5 =	simm.s32 @!p2 $0x0  }
0x1d: {  	s5 =	simm.s32 @p1 $0x1;
	p0 =	seq.s32 s7, s2  }
0x1e: {  	s7 =	smul.u32 @!p0 $0xF7A, s2;
	p2 =	seq.s32 @!p0 s5, $0x0  }
0x1f: {  	s9 =	smul.u32 $0xF7A, s1;
	s8 =	simm.s32 @!p0 $0x1BF5;
	p2 =	por !p2, p0  }
0x20: {  	[sflag:s8] =	ssyncset.s32 @!p0 $0xFFFFF086;
	s6 =	sadd.s32 @!p0 s3, s7;
	s7 =	simm.s32 @!p0 $0x108  }
0x21: {  	s3 =	sadd.s32 s3, s9;
	s6 =	sadd.s32 @!p0 $0x88, s6;
	s7 =	simm.s32 @p2 $0x1082  }
0x22: {  	[simem:s7], [sflag:s8] =	dma.local @!p0 [hbm:s6], $0xF7A  }
0x23: {  	s9 =	sor.u32 $0xD0000000, s2;
	s6 =	simm.s32 $0x108;
	_ =	swait.ge @!p0 [sflag:s8], $0x0  }
0x24: {  	s3 =	sadd.s32 $0x88, s3;
	s6 =	simm.s32 @!p1 $0x1082;
	[sflag:s4] =	ssyncset.s32 $0xFFFFF086  }
0x25: {  	[simem:s6], [sflag:s4] =	dma.local [hbm:s3], $0xF7A  }
0x26: {  	[smem:$0x3F9A] =	sst s1;
	(tag) =	ssettag s2;
	_ =	strace s9  }
0x27: {  	s1 =	sld [smem:$0x3FAA]  }
0x28: {  	s2 =	sld [smem:$0x3FAB]  }
0x29: {  	s4 =	sld [smem:$0x3FAD]  }
0x2a: {  	p0 =	seq.s32 s5, $0x0;
	s5 =	sld [smem:$0x3FAE]  }
0x2b: {  	s6 =	sld [smem:$0x3FAF]  }
0x2c: {  	s7 =	sld [smem:$0x3FB0]  }
0x2d: {  	s3 =	simm.s32 $0x108;
	s8 =	sld [smem:$0x3FB1]  }
0x2e: {  	s3 =	simm.s32 @!p0 $0x1082;
	s9 =	sld [smem:$0x3FB2]  }
0x2f: {  	lr =	sadd.s32 s0, s3;
	s0 =	sld [smem:$0x3FA9]  }
0x30: {  	s3 =	sld [smem:$0x3FAC]  }
0x31: {  	[smem:$0x3FB5] =	sst s10  }
0x32: {  	s10 =	sld [smem:$0x3FB3];
	_ =	sdelay $0x3  }
0x33: {  	p0 =	seq.s32 s10, $0x1;
	s10 =	sld [smem:$0x3FB5];
	_ =	sdelay $0x3  }
0x34: {  	[smem:$0x3FB5] =	sst s10  }
0x35: {  	s10 =	sld [smem:$0x3FB4];
	_ =	sdelay $0x3  }
0x36: {  	p1 =	seq.s32 s10, $0x1;
	s10 =	sld [smem:$0x3FB5];
	_ =	sdelay $0x3  }
0x37: {  	[smem:$0x3FB5] =	sst s10  }
0x38: {  	s10 =	sld [smem:$0x3FB6]  }
0x39: {  	_ = 	snop;
	(pc) =	sbr.ind lr, $3  }
0x3a: {  	_ = 	snop  }
0x3b: {  	_ = 	snop  }
0x3c: {  	p2 =	seq.s32 s10, $0x1;
	s10 =	sld [smem:$0x3FB5]  }
0x3d: {  	_ =	shalt  }
0x3e: {  	_ =	shalt  }
0x3f: {  	_ =	shalt  }
0x40: {  	_ =	shalt  }
0x41: {  	_ =	shalt  }
0x42: {  	_ =	shalt  }
0x43: {  	_ =	shalt  }
0x44: {  	_ =	shalt  }
0x45: {  	_ =	shalt  }
0x46: {  	_ =	shalt  }
0x47: {  	_ =	shalt  }
0x48: {  	_ =	shalt  }
0x49: {  	_ =	shalt  }
0x4a: {  	_ =	shalt  }
0x4b: {  	_ =	shalt  }
0x4c: {  	_ =	shalt  }
0x4d: {  	_ =	shalt  }
0x4e: {  	_ =	shalt  }
0x4f: {  	_ =	shalt  }
0x50: {  	_ =	shalt  }
0x51: {  	_ =	shalt  }
0x52: {  	_ =	shalt  }
0x53: {  	_ =	shalt  }
0x54: {  	_ =	shalt  }
0x55: {  	_ =	shalt  }
0x56: {  	_ =	shalt  }
0x57: {  	_ =	shalt  }
0x58: {  	_ =	shalt  }
0x59: {  	_ =	shalt  }
0x5a: {  	_ =	shalt  }
0x5b: {  	_ =	shalt  }
0x5c: {  	_ =	shalt  }
0x5d: {  	_ =	shalt  }
0x5e: {  	_ =	shalt  }
0x5f: {  	_ =	shalt  }
0x60: {  	_ =	shalt  }
0x61: {  	_ =	shalt  }
0x62: {  	_ =	shalt  }
0x63: {  	_ =	shalt  }
0x64: {  	_ =	shalt  }
0x65: {  	_ =	shalt  }
0x66: {  	_ =	shalt  }
0x67: {  	_ =	shalt  }
0x68: {  	_ =	shalt  }
0x69: {  	_ =	shalt  }
0x6a: {  	_ =	shalt  }
0x6b: {  	_ =	shalt  }
0x6c: {  	_ =	shalt  }
0x6d: {  	_ =	shalt  }
0x6e: {  	_ =	shalt  }
0x6f: {  	_ =	shalt  }
0x70: {  	_ =	shalt  }
0x71: {  	_ =	shalt  }
0x72: {  	_ =	shalt  }
0x73: {  	_ =	shalt  }
0x74: {  	_ =	shalt  }
0x75: {  	_ =	shalt  }
0x76: {  	_ =	shalt  }
0x77: {  	_ =	shalt  }
0x78: {  	_ =	shalt  }
0x79: {  	_ =	shalt  }
0x7a: {  	_ =	shalt  }
0x7b: {  	_ =	shalt  }
0x7c: {  	_ =	shalt  }
0x7d: {  	_ =	shalt  }
0x7e: {  	_ =	shalt  }
0x7f: {  	_ =	shalt  }
0x80: {  	_ =	shalt  }
0x81: {  	_ =	shalt  }
0x82: {  	_ =	shalt  }
0x83: {  	_ =	shalt  }
0x84: {  	_ =	shalt  }
0x85: {  	_ =	shalt  }
0x86: {  	_ =	shalt  }
0x87: {  	_ =	shalt  }
.Lfunc_end0:
.L_simem_size_0:
called_computation_lowered:
.L_overlay_start_0:
0x88: {  	s2 =	sld [smem:$0x3FD9]  }
0x89: {  	s3 =	sld [smem:$0x3FFE];
	_ =	sdelay $0x1  }
0x8a: {  	s1 =	srdreg.scid  }
0x8b: {  	s0 =	sand.u32 $0x1, s1  }
0x8c: {  	s14 =	sshll.u32 s0, $0xA;
	s2 =	sadd.s32 s3, s2  }
0x8d: {  	s2 =	sadd.s32 s2, s14  }
0x8e: {  	[smem:$0x3FC1] =	sst s2  }
0x8f: {  	_ = 	snop  }
0x90: {  	s2 =	sld [smem:$0x3FD0];
	_ =	sdelay $0x2  }
0x91: {  	s4 =	simm.s32 $0xA;
	s5 =	simm.s32 $0x10;
	s15 =	sld [smem:$0x3FC9]  }
0x92: {  	[smem:s5], [sflag:s4] =	dma.local [hbm:s2], $0x1  }
0x93: {  	_ =	swait.eq [sflag:s4], $0x1  }
0x94: {  	[sflag:s4] =	ssyncset.done $0x0  }
0x95: {  	[sflag:s4] =	ssyncadd.s32 $0xFFFFFFFF  }
0x96: {  	s16 =	sld [smem:$0x10];
	(tm) =	ssettm $0x1  }
0x97: {  	s17 =	sld [smem:$0x3FFB];
	_ =	sdelay $0x3  }
0x98: {  	_ =	strace s17  }
0x99: {  	s4 =	sld [smem:$0x3FFC];
	_ =	sdelay $0x3  }
0x9a: {  	_ =	strace s4  }
0x9b: {  	s4 =	sld [smem:$0x3FFD];
	_ =	sdelay $0x3  }
0x9c: {  	_ =	strace s4  }
0x9d: {  	_ =	strace $0x8FFFFFFF  }
0x9e: {  	s18 =	sld [smem:$0x3FDB];
	_ =	sdelay $0x1  }
0x9f: {  	s19 =	simm.s32 $_scs_section_size  }
0xa0: {  	s6 =	simm.s32 $_size__tile_overlayer_lowered;
	s7 =	simm.s32 $_tile_overlayer_lowered  }
0xa1: {  	s22 =	simm.s32 $0x1BFF;
	s21 =	sshll.u32 s7, $0x1;
	s4 =	sadd.s32 s19, s18  }
0xa2: {  	s8 =	simm.s32 $0x0;
	s20 =	sshll.u32 s6, $0x1;
	s6 =	sadd.s32 s21, s4  }
0xa3: {  	[timem:s8], [sflag:s22] =	dma.local [hbm:s6], s20  }
0xa4: {  	_ =	swait.ge [sflag:s22], s20  }
0xa5: {  	s5 =	ssub.s32 $0x0, s20;
	[sflag:s22] =	ssyncset.done $0x0  }
0xa6: {  	[sflag:s22] =	ssyncadd.s32 s5;
	_ =	sdelay $0x1  }
0xa7: {  	s23 =	simm.s32 $0x1B8B  }
0xa8: {  	_ =	swait.ge [sflag:s23], $0x1  }
0xa9: {  	[sflag:s23] =	ssyncset.done $0x0  }
0xaa: {  	s25 =	simm.s32 $0x1B8E;
	s24 =	sld [smem:$0x3FFE];
	[sflag:s23] =	ssyncadd.s32 $0xFFFFFFFF  }
0xab: {  	s26 =	simm.s32 $execute0_lowered;
	[smem:$0x3FD2] =	sst s25  }
0xac: {  	s6 =	sshll.u32 s26, $0x1;
	_ =	strace $0x80000046;
	[dreg:$0x1] =	wrdreg $0xFFFFFFFF  }
0xad: {  	s28 =	simm.s32 $_size_execute0_lowered;
	s4 =	sadd.s32 s4, s6;
	[dreg:$0x0] =	wrdreg $0x0  }
0xae: {  	s6 =	sshll.u32 s28, $0x1;
	[dreg:$0x2] =	wrdreg s4  }
0xaf: {  	[dreg:$0x3] =	wrdreg s6  }
0xb0: {  	[dreg:$0x4] =	wrdreg $0xC0  }
0xb1: {  	_ =	task [dreg:s8], $0x5FFFF  }
0xb2: {  	[dreg:$0x1] =	wrdreg $0xFFFFFFFF  }
0xb3: {  	[dreg:$0x0] =	wrdreg $0x60  }
0xb4: {  	[dreg:$0x2] =	wrdreg s15  }
0xb5: {  	[dreg:$0x3] =	wrdreg s24  }
0xb6: {  	[dreg:$0x4] =	wrdreg s16  }
0xb7: {  	[dreg:$0x5] =	wrdreg $0x9  }
0xb8: {  	_ =	task.clear_ibuf [dreg:s8], $0x6FFFF;
	_ =	strace $0x90000046  }
0xb9: {  	s29 =	simm.s32 $0x9;
	_ =	strace $0x80000048  }
0xba: {  	_ =	swait.ge [sflag:s29], $0x1  }
0xbb: {  	[sflag:s29] =	ssyncadd.s32 $0xFFFFFFFF  }
0xbc: {  	_ =	strace $0x90000048  }
0xbd: {  	_ =	sfence  }
0xbe: {  	s30 =	sld [smem:$0x0];
	_ =	sdelay $0x2  }
0xbf: {  	s31 =	sshll.u32 s1, $0xD;
	s1 =	sshrl.u32 s1, $0x2  }
0xc0: {  	s3 =	sand.u32 $0x4000, s31;
	s1 =	sadd.s32 s1, s30  }
0xc1: {  	s0 =	sor.u32 s3, s0;
	s1 =	sshll.u32 s1, $0x11  }
0xc2: {  	s0 =	sor.u32 s1, s0  }
0xc3: {  	s0 =	sadd.s32 $0x8F2B, s0  }
0xc4: {  	[sflag:s0] =	ssyncadd.remote.s32 $0x1  }
0xc5: {  	_ =	sfence.sel $0xFFFF  }
0xc6: {  	[dreg:$0x0] =	wrdreg $0xFFFFFFFF;
	(pc) =	sbr.abs _section_cstart, $3  }
0xc7: {  	[dreg:$0x1] =	wrdreg $0xFFFFFFFF  }
0xc8: {  	_ =	task.clear_ibuf [dreg:s8], $0x2FFFF;
	_ =	strace $0x9FFFFFFF  }
0xc9: {  	(tm) =	ssettm $0x7FFFFFFF  }
tec
execute0_lowered:
.L_overlay_start_1:
0x0: {  	(tag) =	ssettag $0x1  }
0x1: {  	s1 =	rddreg [dreg:$0x0]  }
0x2: {  	s2 =	srdreg.scid;
	s4 =	rddreg [dreg:$0x1]  }
0x3: {  	s0 =	stileid.u32;
	s3 =	simm.s32 $0x0;
	s8 =	simm.s32 $0x80  }
0x4: {  	s26 =	simm.s32 $0x880;
	s9 =	simm.s32 $0x1080;
	s10 =	simm.s32 $0x1880  }
0x5: {  	s11 =	simm.s32 $0x2080;
	s12 =	simm.s32 $0x2880;
	s13 =	simm.s32 $0x3080  }
0x6: {  	s14 =	simm.s32 $0x3880;
	s15 =	simm.s32 $0x4080;
	s16 =	simm.s32 $0x4880  }
0x7: {  	s17 =	simm.s32 $0x5080;
	s18 =	simm.s32 $0x5880;
	s19 =	simm.s32 $0x6080  }
0x8: {  	s20 =	simm.s32 $0x6880;
	s21 =	simm.s32 $0x7080;
	s22 =	simm.s32 $0x7880  }
0x9: {  	s23 =	simm.s32 $0x8080;
	s28 =	simm.s32 $0xA080;
	s29 =	simm.s32 $0xA880  }
0xa: {  	s30 =	simm.s32 $0xB080;
	s5 =	sand.u32 $0x1, s2;
	s2 =	rddreg [dreg:$0x2]  }
0xb: {  	s31 =	simm.s32 $0xB880;
	s6 =	sshll.u32 s0, $0x4;
	[smem:$0x7FF] =	sst s3  }
0xc: {  	s7 =	sshll.u32 s5, $0x3;
	_ =	strace $0x80000047;
	s5 =	ssub.s32 $0x2, s5  }
0xd: {  	[dreg:$0x6] =	wrdreg s26;
	s26 =	simm.s32 $0x9880;
	s6 =	sor.u32 s7, s6  }
0xe: {  	s24 =	sshrl.u32 s5, $0x1;
	s7 =	simm.s32 $0x2;
	s4 =	sadd.s32 s6, s4  }
0xf: {  	s6 =	smul.u32 $0x300, s6;
	s25 =	ssub.s32 s5, s24;
	s4 =	sadd.s32 $0x200, s4  }
0x10: {  	v2 =	vlaneseq.u32;
	s5 =	sadd.s32 $0x200, s2;
	s24 =	simm.s32 $0x8880;
	[dreg:$0x4] =	wrdreg s4  }
0x11: {  	vm0 =	vmmov $0xffff;
	v1 =	vshrl.u32 v2, $0x3;
	s1 =	sadd.s32 s1, s6;
	s4 =	sadd.s32 $0x100, s2;
	s6 =	smax.u32 s25, $0x1  }
0x12: {  	v0 =	vand.u32 $0x7, v2;
	v2 =	vor.u32 $0x8, v2;
	v1 =	vmul.u32 $0x8, v1;
	s25 =	simm.s32 $0x9080;
	[dreg:$0x5] =	wrdreg s1;
	s1 =	simm.s32 $0x1  }
.LBB2_1:
0x13: {  	s0 =	rddreg [dreg:$0x4]  }
0x14: {  	[tilespmem:s3], [sflag:$0x2] =	stream.linear.gather [hbm4b:s0+s3], $0x40, $0x38;
	[tilespmem:$0xC080] =	vst v63  }
0x15: {  	_ =	swait.ge [sflag:s7], $0x40  }
0x16: {  	[sflag:s7] =	ssyncset.done $0x0  }
0x17: {  	s0 =	rddreg [dreg:$0x5];
	[sflag:s7] =	ssyncadd.s32 $0xFFFFFFC0  }
0x18: {  	[tilespmem:s8], [sflag:$0x2] =	stream.linear.gather [hbm4b:s0+s3], $0xC000, $0x38;
	[tilespmem:$0xC080] =	vst v63  }
0x19: {  	_ =	swait.ge [sflag:s7], $0xC000  }
0x1a: {  	[sflag:s7] =	ssyncset.done $0x0  }
0x1b: {  	[sflag:s7] =	ssyncadd.s32 $0xFFFF4000  }
0x1c: {  	v3 =	vld [tilespmem:$0x0];
	_ =	sdelay $0x4  }
0x1d: {  	v4 =	vshrl.u32 v3, $0x3  }
0x1e: {  	v4 =	vmul.u32 $0x30, v4  }
0x1f: {  	v3 =	vand.u32 $0x7, v3  }
0x20: {  	v3 =	vor.u32 v3, v4  }
0x21: {  	v4 =	vperm.xlane v3, v0;
	_ =	sdelay $0x1  }
0x22: {  	v4 =	vadd.s32 v1, v4;
	_ =	sdelay $0x3  }
0x23: {  	v3 =	vperm.xlane v3, v2  }
0x24: {  	[hbm4b:s2+s3] =	stream.indirect_vreg.scatter [tilespmem:s8], [sflag:$0x1], $0x80, v4, vm0, $0xb8;
	[tilespmem:$0xC080] =	vst v63  }
0x25: {  	s0 =	rddreg [dreg:$0x6];
	v3 =	vadd.s32 v1, v3  }
0x26: {  	[hbm4b:s4+s3] =	stream.indirect_vreg.scatter [tilespmem:s0], [sflag:$0x1], $0x80, v4, vm0, $0xb8;
	[tilespmem:$0xC080] =	vst v63  }
0x27: {  	_ = 	snop  }
0x28: {  	[hbm4b:s5+s3] =	stream.indirect_vreg.scatter [tilespmem:s9], [sflag:$0x1], $0x80, v4, vm0, $0xb8;
	[tilespmem:$0xC080] =	vst v63  }
0x29: {  	_ = 	snop  }
0x2a: {  	[hbm4b:s2+s3] =	stream.indirect_vreg.scatter [tilespmem:s10], [sflag:$0x1], $0x80, v3, vm0, $0xb8;
	[tilespmem:$0xC080] =	vst v63  }
0x2b: {  	_ = 	snop  }
0x2c: {  	[hbm4b:s4+s3] =	stream.indirect_vreg.scatter [tilespmem:s11], [sflag:$0x1], $0x80, v3, vm0, $0xb8;
	[tilespmem:$0xC080] =	vst v63  }
0x2d: {  	_ = 	snop  }
0x2e: {  	[hbm4b:s5+s3] =	stream.indirect_vreg.scatter [tilespmem:s12], [sflag:$0x1], $0x80, v3, vm0, $0xb8;
	[tilespmem:$0xC080] =	vst v63  }
0x2f: {  	v3 =	vld [tilespmem:$0x10];
	_ =	sdelay $0x4  }
0x30: {  	v61 =	vshrl.u32 v3, $0x3  }
0x31: {  	v4 =	vmul.u32 $0x30, v61  }
0x32: {  	v3 =	vand.u32 $0x7, v3  }
0x33: {  	v3 =	vor.u32 v3, v4  }
0x34: {  	v4 =	vperm.xlane v3, v0;
	_ =	sdelay $0x1  }
0x35: {  	v4 =	vadd.s32 v1, v4;
	_ =	sdelay $0x3  }
0x36: {  	v3 =	vperm.xlane v3, v2  }
0x37: {  	[hbm4b:s2+s3] =	stream.indirect_vreg.scatter [tilespmem:s13], [sflag:$0x1], $0x80, v4, vm0, $0xb8;
	[tilespmem:$0xC080] =	vst v63  }
0x38: {  	v3 =	vadd.s32 v1, v3  }
0x39: {  	[hbm4b:s4+s3] =	stream.indirect_vreg.scatter [tilespmem:s14], [sflag:$0x1], $0x80, v4, vm0, $0xb8;
	[tilespmem:$0xC080] =	vst v63  }
0x3a: {  	_ = 	snop  }
0x3b: {  	[hbm4b:s5+s3] =	stream.indirect_vreg.scatter [tilespmem:s15], [sflag:$0x1], $0x80, v4, vm0, $0xb8;
	[tilespmem:$0xC080] =	vst v63  }
0x3c: {  	_ = 	snop  }
0x3d: {  	[hbm4b:s2+s3] =	stream.indirect_vreg.scatter [tilespmem:s16], [sflag:$0x1], $0x80, v3, vm0, $0xb8;
	[tilespmem:$0xC080] =	vst v63  }
0x3e: {  	_ = 	snop  }
0x3f: {  	[hbm4b:s4+s3] =	stream.indirect_vreg.scatter [tilespmem:s17], [sflag:$0x1], $0x80, v3, vm0, $0xb8;
	[tilespmem:$0xC080] =	vst v63  }
0x40: {  	_ = 	snop  }
0x41: {  	[hbm4b:s5+s3] =	stream.indirect_vreg.scatter [tilespmem:s18], [sflag:$0x1], $0x80, v3, vm0, $0xb8;
	[tilespmem:$0xC080] =	vst v63  }
0x42: {  	v3 =	vld [tilespmem:$0x20];
	_ =	sdelay $0x4  }
0x43: {  	v62 =	vshrl.u32 v3, $0x3  }
0x44: {  	v4 =	vmul.u32 $0x30, v62  }
0x45: {  	v3 =	vand.u32 $0x7, v3  }
0x46: {  	v3 =	vor.u32 v3, v4  }
0x47: {  	v4 =	vperm.xlane v3, v0;
	_ =	sdelay $0x1  }
0x48: {  	v4 =	vadd.s32 v1, v4;
	_ =	sdelay $0x3  }
0x49: {  	v3 =	vperm.xlane v3, v2  }
0x4a: {  	[hbm4b:s2+s3] =	stream.indirect_vreg.scatter [tilespmem:s19], [sflag:$0x1], $0x80, v4, vm0, $0xb8;
	[tilespmem:$0xC080] =	vst v63  }
0x4b: {  	v3 =	vadd.s32 v1, v3  }
0x4c: {  	[hbm4b:s4+s3] =	stream.indirect_vreg.scatter [tilespmem:s20], [sflag:$0x1], $0x80, v4, vm0, $0xb8;
	[tilespmem:$0xC080] =	vst v63  }
0x4d: {  	_ = 	snop  }
0x4e: {  	[hbm4b:s5+s3] =	stream.indirect_vreg.scatter [tilespmem:s21], [sflag:$0x1], $0x80, v4, vm0, $0xb8;
	[tilespmem:$0xC080] =	vst v63  }
0x4f: {  	_ = 	snop  }
0x50: {  	[hbm4b:s2+s3] =	stream.indirect_vreg.scatter [tilespmem:s22], [sflag:$0x1], $0x80, v3, vm0, $0xb8;
	[tilespmem:$0xC080] =	vst v63  }
0x51: {  	_ = 	snop  }
0x52: {  	[hbm4b:s4+s3] =	stream.indirect_vreg.scatter [tilespmem:s23], [sflag:$0x1], $0x80, v3, vm0, $0xb8;
	[tilespmem:$0xC080] =	vst v63  }
0x53: {  	_ = 	snop  }
0x54: {  	[hbm4b:s5+s3] =	stream.indirect_vreg.scatter [tilespmem:s24], [sflag:$0x1], $0x80, v3, vm0, $0xb8;
	[tilespmem:$0xC080] =	vst v63  }
0x55: {  	v3 =	vld [tilespmem:$0x30];
	_ =	sdelay $0x4  }
0x56: {  	v63 =	vshrl.u32 v3, $0x3  }
0x57: {  	v4 =	vmul.u32 $0x30, v63  }
0x58: {  	v3 =	vand.u32 $0x7, v3  }
0x59: {  	v3 =	vor.u32 v3, v4  }
0x5a: {  	v4 =	vperm.xlane v3, v0;
	_ =	sdelay $0x1  }
0x5b: {  	v4 =	vadd.s32 v1, v4;
	_ =	sdelay $0x3  }
0x5c: {  	v3 =	vperm.xlane v3, v2  }
0x5d: {  	[hbm4b:s2+s3] =	stream.indirect_vreg.scatter [tilespmem:s25], [sflag:$0x1], $0x80, v4, vm0, $0xb8;
	[tilespmem:$0xC080] =	vst v63  }
0x5e: {  	v3 =	vadd.s32 v1, v3  }
0x5f: {  	[hbm4b:s4+s3] =	stream.indirect_vreg.scatter [tilespmem:s26], [sflag:$0x1], $0x80, v4, vm0, $0xb8;
	[tilespmem:$0xC080] =	vst v63  }
0x60: {  	_ = 	snop  }
0x61: {  	[hbm4b:s5+s3] =	stream.indirect_vreg.scatter [tilespmem:s28], [sflag:$0x1], $0x80, v4, vm0, $0xb8;
	[tilespmem:$0xC080] =	vst v63  }
0x62: {  	_ = 	snop  }
0x63: {  	[hbm4b:s2+s3] =	stream.indirect_vreg.scatter [tilespmem:s29], [sflag:$0x1], $0x80, v3, vm0, $0xb8;
	[tilespmem:$0xC080] =	vst v63  }
0x64: {  	p0 =	sne.s32 s6, $0x1  }
0x65: {  	[hbm4b:s4+s3] =	stream.indirect_vreg.scatter [tilespmem:s30], [sflag:$0x1], $0x80, v3, vm0, $0xb8;
	[tilespmem:$0xC080] =	vst v63  }
.Ltmp0:
0x66: {  	_ = 	snop;
	(pc) =	sbr.rel @p0 .LBB2_1-.Ltmp0, $4  }
0x67: {  	[hbm4b:s5+s3] =	stream.indirect_vreg.scatter [tilespmem:s31], [sflag:$0x1], $0x80, v3, vm0, $0xb8;
	[tilespmem:$0xC080] =	vst v63  }
0x68: {  	_ =	swait.ge [sflag:s1], $0xC000  }
0x69: {  	[sflag:s1] =	ssyncset.done $0x0  }
0x6a: {  	s6 =	sadd.s32 $0xFFFFFFFF, s6;
	[sflag:s1] =	ssyncadd.s32 $0xFFFF4000  }
0x6b: {  	_ =	sfence.sel $0x180000  }
0x6c: {  	[bflag:$0x0] =	sbarrier.arrive $0xFFFF  }
0x6d: {  	_ =	strace $0x90000047  }
0x6e: {  	s0 =	stileid.u32;
	[bflag:$0x2] =	sbarrier.arrive $0xFFFF  }
0x6f: {  	p0 =	sne.s32 s0, $0x0;
	s0 =	rddreg [dreg:$0x3]  }
0x70: {  	s0 =	sadd.s32 @!p0 $0x100000, s0  }
0x71: {  	[sflag:s0] =	ssyncadd.tile.s32 @!p0 $0x1;
	_ =	shalt  }
.Lfunc_end2:
_tile_overlayer_lowered:
.L_overlay_start_2:
0x72: {  	(tag) =	ssettag $0x2  }
0x73: {  	s0 =	rddreg [dreg:$0x0];
	s2 =	stileid.u32  }
0x74: {  	s1 =	rddreg [dreg:$0x1];
	p0 =	sne.s32 s2, $0x0  }
0x75: {  	s3 =	rddreg [dreg:$0x2];
	[bflag:$0x3] =	sbarrier.arrive $0xFFFF;
	s2 =	simm.s32 @!p0 $0x1C02  }
0x76: {  	[timem:s3], [sflag:s2] =	dma.local @!p0 [hbm:s0], s1  }
0x77: {  	s0 =	simm.s32 @!p0 $0x2  }
0x78: {  	_ =	swait.ge @!p0 [sflag:s0], s1  }
0x79: {  	s1 =	ssub.s32 @!p0 $0x0, s1;
	[sflag:s0] =	ssyncset.done @!p0 $0x0  }
0x7a: {  	[sflag:s0] =	ssyncadd.s32 @!p0 s1  }
0x7b: {  	[bflag:$0x3] =	sbarrier.arrive $0xFFFF  }
0x7c: {  	_ =	shalt  }

// kernel: kernel.9.cloned.1.call-start
scs
__scs_entry_jumppad:
0x0: {  	(pc) =	sbr.rel $0x88, $3  }
0x1: {  	(tag) =	ssettag $0x0;
	lr =	simm.s32 $0x1  }
0x2: {  	[smem:$0x3F9A] =	sst lr;
	_ =	strace $0xD0000000  }
0x3: {  	_ = 	snop  }
0x4: {  	_ = 	snop  }
0x5: {  	_ = 	snop  }
0x6: {  	_ = 	snop  }
0x7: {  	_ = 	snop  }
__scs_overlays_trampoline_lowered:
0x8: {  	[smem:$0x3FA9] =	sst s0  }
0x9: {  	[smem:$0x3FAA] =	sst s1  }
0xa: {  	[smem:$0x3FAB] =	sst s2  }
0xb: {  	[smem:$0x3FAC] =	sst s3  }
0xc: {  	[smem:$0x3FAD] =	sst s4  }
0xd: {  	[smem:$0x3FAE] =	sst s5  }
0xe: {  	[smem:$0x3FAF] =	sst s6  }
0xf: {  	[smem:$0x3FB0] =	sst s7  }
0x10: {  	[smem:$0x3FB1] =	sst s8  }
0x11: {  	[smem:$0x3FB2] =	sst s9;
	s0 =	simm.s32 @!p0 $0x0  }
0x12: {  	s1 =	sld [smem:$0x3F98];
	s0 =	simm.s32 @p0 $0x1  }
0x13: {  	[smem:$0x3FB3] =	sst s0;
	s0 =	simm.s32 @!p1 $0x0  }
0x14: {  	s2 =	sld [smem:$0x3F97];
	s0 =	simm.s32 @p1 $0x1  }
0x15: {  	[smem:$0x3FB4] =	sst s0;
	s0 =	simm.s32 @!p2 $0x0  }
0x16: {  	s3 =	sld [smem:$0x3FDB];
	s0 =	simm.s32 @p2 $0x1  }
0x17: {  	s4 =	simm.s32 $0x1BF5;
	[smem:$0x3FB6] =	sst s0  }
0x18: {  	s0 =	sld [smem:$0x3F99];
	_ =	swait.ge [sflag:s4], $0x0  }
0x19: {  	s7 =	sld [smem:$0x3F9A]  }
0x1a: {  	s8 =	sadd.s32 $0xFFFFE003, lr  }
0x1b: {  	s9 =	sadd.s32 $0xFFFFFEF7, lr;
	s5 =	simm.s32 $0xFFFFFFFF;
	p2 =	slt.u32 s8, $0xFFFFF086  }
0x1c: {  	p1 =	slt.u32 s9, $0xF7A;
	s5 =	simm.s32 @!p2 $0x0  }
0x1d: {  	s5 =	simm.s32 @p1 $0x1;
	p0 =	seq.s32 s7, s2  }
0x1e: {  	s7 =	smul.u32 @!p0 $0xF7A, s2;
	p2 =	seq.s32 @!p0 s5, $0x0  }
0x1f: {  	s9 =	smul.u32 $0xF7A, s1;
	s8 =	simm.s32 @!p0 $0x1BF5;
	p2 =	por !p2, p0  }
0x20: {  	[sflag:s8] =	ssyncset.s32 @!p0 $0xFFFFF086;
	s6 =	sadd.s32 @!p0 s3, s7;
	s7 =	simm.s32 @!p0 $0x108  }
0x21: {  	s3 =	sadd.s32 s3, s9;
	s6 =	sadd.s32 @!p0 $0x88, s6;
	s7 =	simm.s32 @p2 $0x1082  }
0x22: {  	[simem:s7], [sflag:s8] =	dma.local @!p0 [hbm:s6], $0xF7A  }
0x23: {  	s9 =	sor.u32 $0xD0000000, s2;
	s6 =	simm.s32 $0x108;
	_ =	swait.ge @!p0 [sflag:s8], $0x0  }
0x24: {  	s3 =	sadd.s32 $0x88, s3;
	s6 =	simm.s32 @!p1 $0x1082;
	[sflag:s4] =	ssyncset.s32 $0xFFFFF086  }
0x25: {  	[simem:s6], [sflag:s4] =	dma.local [hbm:s3], $0xF7A  }
0x26: {  	[smem:$0x3F9A] =	sst s1;
	(tag) =	ssettag s2;
	_ =	strace s9  }
0x27: {  	s1 =	sld [smem:$0x3FAA]  }
0x28: {  	s2 =	sld [smem:$0x3FAB]  }
0x29: {  	s4 =	sld [smem:$0x3FAD]  }
0x2a: {  	p0 =	seq.s32 s5, $0x0;
	s5 =	sld [smem:$0x3FAE]  }
0x2b: {  	s6 =	sld [smem:$0x3FAF]  }
0x2c: {  	s7 =	sld [smem:$0x3FB0]  }
0x2d: {  	s3 =	simm.s32 $0x108;
	s8 =	sld [smem:$0x3FB1]  }
0x2e: {  	s3 =	simm.s32 @!p0 $0x1082;
	s9 =	sld [smem:$0x3FB2]  }
0x2f: {  	lr =	sadd.s32 s0, s3;
	s0 =	sld [smem:$0x3FA9]  }
0x30: {  	s3 =	sld [smem:$0x3FAC]  }
0x31: {  	[smem:$0x3FB5] =	sst s10  }
0x32: {  	s10 =	sld [smem:$0x3FB3];
	_ =	sdelay $0x3  }
0x33: {  	p0 =	seq.s32 s10, $0x1;
	s10 =	sld [smem:$0x3FB5];
	_ =	sdelay $0x3  }
0x34: {  	[smem:$0x3FB5] =	sst s10  }
0x35: {  	s10 =	sld [smem:$0x3FB4];
	_ =	sdelay $0x3  }
0x36: {  	p1 =	seq.s32 s10, $0x1;
	s10 =	sld [smem:$0x3FB5];
	_ =	sdelay $0x3  }
0x37: {  	[smem:$0x3FB5] =	sst s10  }
0x38: {  	s10 =	sld [smem:$0x3FB6]  }
0x39: {  	_ = 	snop;
	(pc) =	sbr.ind lr, $3  }
0x3a: {  	_ = 	snop  }
0x3b: {  	_ = 	snop  }
0x3c: {  	p2 =	seq.s32 s10, $0x1;
	s10 =	sld [smem:$0x3FB5]  }
0x3d: {  	_ =	shalt  }
0x3e: {  	_ =	shalt  }
0x3f: {  	_ =	shalt  }
0x40: {  	_ =	shalt  }
0x41: {  	_ =	shalt  }
0x42: {  	_ =	shalt  }
0x43: {  	_ =	shalt  }
0x44: {  	_ =	shalt  }
0x45: {  	_ =	shalt  }
0x46: {  	_ =	shalt  }
0x47: {  	_ =	shalt  }
0x48: {  	_ =	shalt  }
0x49: {  	_ =	shalt  }
0x4a: {  	_ =	shalt  }
0x4b: {  	_ =	shalt  }
0x4c: {  	_ =	shalt  }
0x4d: {  	_ =	shalt  }
0x4e: {  	_ =	shalt  }
0x4f: {  	_ =	shalt  }
0x50: {  	_ =	shalt  }
0x51: {  	_ =	shalt  }
0x52: {  	_ =	shalt  }
0x53: {  	_ =	shalt  }
0x54: {  	_ =	shalt  }
0x55: {  	_ =	shalt  }
0x56: {  	_ =	shalt  }
0x57: {  	_ =	shalt  }
0x58: {  	_ =	shalt  }
0x59: {  	_ =	shalt  }
0x5a: {  	_ =	shalt  }
0x5b: {  	_ =	shalt  }
0x5c: {  	_ =	shalt  }
0x5d: {  	_ =	shalt  }
0x5e: {  	_ =	shalt  }
0x5f: {  	_ =	shalt  }
0x60: {  	_ =	shalt  }
0x61: {  	_ =	shalt  }
0x62: {  	_ =	shalt  }
0x63: {  	_ =	shalt  }
0x64: {  	_ =	shalt  }
0x65: {  	_ =	shalt  }
0x66: {  	_ =	shalt  }
0x67: {  	_ =	shalt  }
0x68: {  	_ =	shalt  }
0x69: {  	_ =	shalt  }
0x6a: {  	_ =	shalt  }
0x6b: {  	_ =	shalt  }
0x6c: {  	_ =	shalt  }
0x6d: {  	_ =	shalt  }
0x6e: {  	_ =	shalt  }
0x6f: {  	_ =	shalt  }
0x70: {  	_ =	shalt  }
0x71: {  	_ =	shalt  }
0x72: {  	_ =	shalt  }
0x73: {  	_ =	shalt  }
0x74: {  	_ =	shalt  }
0x75: {  	_ =	shalt  }
0x76: {  	_ =	shalt  }
0x77: {  	_ =	shalt  }
0x78: {  	_ =	shalt  }
0x79: {  	_ =	shalt  }
0x7a: {  	_ =	shalt  }
0x7b: {  	_ =	shalt  }
0x7c: {  	_ =	shalt  }
0x7d: {  	_ =	shalt  }
0x7e: {  	_ =	shalt  }
0x7f: {  	_ =	shalt  }
0x80: {  	_ =	shalt  }
0x81: {  	_ =	shalt  }
0x82: {  	_ =	shalt  }
0x83: {  	_ =	shalt  }
0x84: {  	_ =	shalt  }
0x85: {  	_ =	shalt  }
0x86: {  	_ =	shalt  }
0x87: {  	_ =	shalt  }
.Lfunc_end0:
.L_simem_size_0:
called_computation.1_lowered:
.L_overlay_start_0:
0x88: {  	s2 =	sld [smem:$0x3FD9]  }
0x89: {  	s3 =	sld [smem:$0x3FFE];
	_ =	sdelay $0x1  }
0x8a: {  	s1 =	srdreg.scid  }
0x8b: {  	s0 =	sand.u32 $0x1, s1  }
0x8c: {  	s14 =	sshll.u32 s0, $0xA;
	s2 =	sadd.s32 s3, s2  }
0x8d: {  	s2 =	sadd.s32 s2, s14  }
0x8e: {  	[smem:$0x3FC1] =	sst s2  }
0x8f: {  	_ = 	snop  }
0x90: {  	s2 =	sld [smem:$0x3FD0];
	_ =	sdelay $0x2  }
0x91: {  	s15 =	simm.s32 $0xA;
	s4 =	simm.s32 $0x10  }
0x92: {  	[smem:s4], [sflag:s15] =	dma.local [hbm:s2], $0x1  }
0x93: {  	_ =	swait.eq [sflag:s15], $0x1  }
0x94: {  	[sflag:s15] =	ssyncset.done $0x0  }
0x95: {  	[sflag:s15] =	ssyncadd.s32 $0xFFFFFFFF  }
0x96: {  	s16 =	sld [smem:$0x10];
	(tm) =	ssettm $0x1  }
0x97: {  	s17 =	sld [smem:$0x3FFB];
	_ =	sdelay $0x3  }
0x98: {  	_ =	strace s17  }
0x99: {  	s3 =	sld [smem:$0x3FFC];
	_ =	sdelay $0x3  }
0x9a: {  	_ =	strace s3  }
0x9b: {  	s3 =	sld [smem:$0x3FFD];
	_ =	sdelay $0x3  }
0x9c: {  	_ =	strace s3  }
0x9d: {  	_ =	strace $0x8FFFFFFF  }
0x9e: {  	s18 =	sld [smem:$0x3FDB];
	_ =	sdelay $0x1  }
0x9f: {  	s19 =	simm.s32 $_scs_section_size  }
0xa0: {  	s5 =	simm.s32 $_size__tile_overlayer_lowered;
	s6 =	simm.s32 $_tile_overlayer_lowered  }
0xa1: {  	s22 =	simm.s32 $0x1BFF;
	s21 =	sshll.u32 s6, $0x1;
	s3 =	sadd.s32 s19, s18  }
0xa2: {  	s7 =	simm.s32 $0x0;
	s20 =	sshll.u32 s5, $0x1;
	s5 =	sadd.s32 s21, s3  }
0xa3: {  	[timem:s7], [sflag:s22] =	dma.local [hbm:s5], s20  }
0xa4: {  	_ =	swait.ge [sflag:s22], s20  }
0xa5: {  	s4 =	ssub.s32 $0x0, s20;
	[sflag:s22] =	ssyncset.done $0x0  }
0xa6: {  	[sflag:s22] =	ssyncadd.s32 s4;
	_ =	sdelay $0x1  }
0xa7: {  	s23 =	simm.s32 $0x1B8B  }
0xa8: {  	_ =	swait.ge [sflag:s23], $0x1  }
0xa9: {  	[sflag:s23] =	ssyncset.done $0x0  }
0xaa: {  	s25 =	simm.s32 $0x1B8E;
	s24 =	sld [smem:$0x3FFE];
	[sflag:s23] =	ssyncadd.s32 $0xFFFFFFFF  }
0xab: {  	s26 =	simm.s32 $execute0_lowered;
	[smem:$0x3FD2] =	sst s25  }
0xac: {  	s5 =	sshll.u32 s26, $0x1;
	_ =	strace $0x80000049;
	[dreg:$0x1] =	wrdreg $0xFFFFFFFF  }
0xad: {  	s28 =	simm.s32 $_size_execute0_lowered;
	s3 =	sadd.s32 s3, s5;
	[dreg:$0x0] =	wrdreg $0x0  }
0xae: {  	s5 =	sshll.u32 s28, $0x1;
	[dreg:$0x2] =	wrdreg s3  }
0xaf: {  	[dreg:$0x3] =	wrdreg s5  }
0xb0: {  	[dreg:$0x4] =	wrdreg $0xC0  }
0xb1: {  	_ =	task [dreg:s7], $0x5FFFF  }
0xb2: {  	[dreg:$0x1] =	wrdreg $0xFFFFFFFF  }
0xb3: {  	[dreg:$0x0] =	wrdreg $0x60  }
0xb4: {  	[dreg:$0x2] =	wrdreg s24  }
0xb5: {  	[dreg:$0x3] =	wrdreg s16  }
0xb6: {  	[dreg:$0x4] =	wrdreg $0x9  }
0xb7: {  	_ =	task.clear_ibuf [dreg:s7], $0x5FFFF;
	_ =	strace $0x90000049  }
0xb8: {  	s29 =	simm.s32 $0x9;
	_ =	strace $0x8000004B  }
0xb9: {  	_ =	swait.ge [sflag:s29], $0x1  }
0xba: {  	[sflag:s29] =	ssyncadd.s32 $0xFFFFFFFF  }
0xbb: {  	_ =	strace $0x9000004B  }
0xbc: {  	_ =	sfence  }
0xbd: {  	s30 =	sld [smem:$0x0];
	_ =	sdelay $0x2  }
0xbe: {  	s31 =	sshll.u32 s1, $0xD;
	s1 =	sshrl.u32 s1, $0x2  }
0xbf: {  	s3 =	sand.u32 $0x4000, s31;
	s1 =	sadd.s32 s1, s30  }
0xc0: {  	s0 =	sor.u32 s3, s0;
	s1 =	sshll.u32 s1, $0x11  }
0xc1: {  	s0 =	sor.u32 s1, s0  }
0xc2: {  	s0 =	sadd.s32 $0x8F2B, s0  }
0xc3: {  	[sflag:s0] =	ssyncadd.remote.s32 $0x1  }
0xc4: {  	_ =	sfence.sel $0xFFFF  }
0xc5: {  	[dreg:$0x0] =	wrdreg $0xFFFFFFFF;
	(pc) =	sbr.abs _section_cstart, $3  }
0xc6: {  	[dreg:$0x1] =	wrdreg $0xFFFFFFFF  }
0xc7: {  	_ =	task.clear_ibuf [dreg:s7], $0x2FFFF;
	_ =	strace $0x9FFFFFFF  }
0xc8: {  	(tm) =	ssettm $0x7FFFFFFF  }
0xc9: {  	_ =	shalt  }
tec
execute0_lowered:
.L_overlay_start_1:
0x0: {  	(tag) =	ssettag $0x1  }
0x1: {  	s0 =	rddreg [dreg:$0x0]  }
0x2: {  	s5 =	rddreg [dreg:$0x1];
	s3 =	srdreg.scid  }
0x3: {  	s2 =	simm.s32 $0x0;
	s1 =	stileid.u32;
	s26 =	simm.s32 $0x880  }
0x4: {  	s10 =	simm.s32 $0x1880;
	s11 =	simm.s32 $0x2080;
	s12 =	simm.s32 $0x2880  }
0x5: {  	s13 =	simm.s32 $0x3080;
	s14 =	simm.s32 $0x3880;
	s15 =	simm.s32 $0x4080  }
0x6: {  	s16 =	simm.s32 $0x4880;
	s17 =	simm.s32 $0x5080;
	s18 =	simm.s32 $0x5880  }
0x7: {  	s19 =	simm.s32 $0x6080;
	s20 =	simm.s32 $0x6880;
	s21 =	simm.s32 $0x7080  }
0x8: {  	s22 =	simm.s32 $0x7880;
	s28 =	simm.s32 $0xA080;
	s29 =	simm.s32 $0xA880  }
0x9: {  	s30 =	simm.s32 $0xB080;
	s31 =	simm.s32 $0xB880;
	s3 =	sand.u32 $0x1, s3  }
0xa: {  	[smem:$0x7FF] =	sst s2;
	s4 =	sshll.u32 s1, $0x4;
	s6 =	sshll.u32 s3, $0x3  }
0xb: {  	_ =	strace $0x8000004A;
	s23 =	ssub.s32 $0x2, s3;
	s3 =	sadd.s32 $0x400, s0  }
0xc: {  	[dreg:$0x5] =	wrdreg s26;
	s26 =	simm.s32 $0x9880;
	s4 =	sor.u32 s6, s4  }
0xd: {  	s8 =	sshrl.u32 s23, $0x1;
	s7 =	sadd.s32 s4, s0;
	s9 =	smul.u32 $0x300, s4  }
0xe: {  	s6 =	ssub.s32 s23, s8;
	s4 =	sadd.s32 $0x500, s0;
	s8 =	simm.s32 $0x80  }
0xf: {  	s23 =	simm.s32 $0x8080;
	s24 =	sadd.s32 $0x200, s7;
	s6 =	smax.u32 s6, $0x1  }
0x10: {  	v2 =	vlaneseq.u32;
	s7 =	simm.s32 $0x2;
	[dreg:$0x3] =	wrdreg s24;
	s25 =	sadd.s32 s5, s9  }
0x11: {  	vm0 =	vmmov $0xffff;
	v1 =	vshrl.u32 v2, $0x3;
	s5 =	sadd.s32 $0x600, s0;
	s9 =	simm.s32 $0x1080;
	s24 =	simm.s32 $0x8880  }
0x12: {  	v0 =	vand.u32 $0x7, v2;
	v2 =	vor.u32 $0x8, v2;
	v1 =	vmul.u32 $0x8, v1;
	s0 =	simm.s32 $0x1;
	[dreg:$0x4] =	wrdreg s25;
	s25 =	simm.s32 $0x9080  }
.LBB2_1:
0x13: {  	s1 =	rddreg [dreg:$0x3]  }
0x14: {  	[tilespmem:s2], [sflag:$0x2] =	stream.linear.gather [hbm4b:s1+s2], $0x40, $0x38;
	[tilespmem:$0xC080] =	vst v63  }
0x15: {  	_ =	swait.ge [sflag:s7], $0x40  }
0x16: {  	[sflag:s7] =	ssyncset.done $0x0  }
0x17: {  	[sflag:s7] =	ssyncadd.s32 $0xFFFFFFC0  }
0x18: {  	v3 =	vld [tilespmem:$0x0];
	_ =	sdelay $0x4  }
0x19: {  	v4 =	vshrl.u32 v3, $0x3  }
0x1a: {  	v4 =	vmul.u32 $0x30, v4  }
0x1b: {  	v3 =	vand.u32 $0x7, v3  }
0x1c: {  	v3 =	vor.u32 v3, v4  }
0x1d: {  	v4 =	vperm.xlane v3, v0;
	_ =	sdelay $0x1  }
0x1e: {  	v4 =	vadd.s32 v1, v4;
	_ =	sdelay $0x3  }
0x1f: {  	v3 =	vperm.xlane v3, v2  }
0x20: {  	[tilespmem:s8], [sflag:$0x1] =	stream.indirect_vreg.gather [hbm4b:s3+s2], $0x80, v4, vm0, $0xb8;
	[tilespmem:$0xC080] =	vst v63  }
0x21: {  	s1 =	rddreg [dreg:$0x5];
	v3 =	vadd.s32 v1, v3  }
0x22: {  	[tilespmem:s1], [sflag:$0x1] =	stream.indirect_vreg.gather [hbm4b:s4+s2], $0x80, v4, vm0, $0xb8;
	[tilespmem:$0xC080] =	vst v63  }
0x23: {  	_ = 	snop  }
0x24: {  	[tilespmem:s9], [sflag:$0x1] =	stream.indirect_vreg.gather [hbm4b:s5+s2], $0x80, v4, vm0, $0xb8;
	[tilespmem:$0xC080] =	vst v63  }
0x25: {  	_ = 	snop  }
0x26: {  	[tilespmem:s10], [sflag:$0x1] =	stream.indirect_vreg.gather [hbm4b:s3+s2], $0x80, v3, vm0, $0xb8;
	[tilespmem:$0xC080] =	vst v63  }
0x27: {  	_ = 	snop  }
0x28: {  	[tilespmem:s11], [sflag:$0x1] =	stream.indirect_vreg.gather [hbm4b:s4+s2], $0x80, v3, vm0, $0xb8;
	[tilespmem:$0xC080] =	vst v63  }
0x29: {  	_ = 	snop  }
0x2a: {  	[tilespmem:s12], [sflag:$0x1] =	stream.indirect_vreg.gather [hbm4b:s5+s2], $0x80, v3, vm0, $0xb8;
	[tilespmem:$0xC080] =	vst v63  }
0x2b: {  	v3 =	vld [tilespmem:$0x10];
	_ =	sdelay $0x4  }
0x2c: {  	v61 =	vshrl.u32 v3, $0x3  }
0x2d: {  	v4 =	vmul.u32 $0x30, v61  }
0x2e: {  	v3 =	vand.u32 $0x7, v3  }
0x2f: {  	v3 =	vor.u32 v3, v4  }
0x30: {  	v4 =	vperm.xlane v3, v0;
	_ =	sdelay $0x1  }
0x31: {  	v4 =	vadd.s32 v1, v4;
	_ =	sdelay $0x3  }
0x32: {  	v3 =	vperm.xlane v3, v2  }
0x33: {  	[tilespmem:s13], [sflag:$0x1] =	stream.indirect_vreg.gather [hbm4b:s3+s2], $0x80, v4, vm0, $0xb8;
	[tilespmem:$0xC080] =	vst v63  }
0x34: {  	v3 =	vadd.s32 v1, v3  }
0x35: {  	[tilespmem:s14], [sflag:$0x1] =	stream.indirect_vreg.gather [hbm4b:s4+s2], $0x80, v4, vm0, $0xb8;
	[tilespmem:$0xC080] =	vst v63  }
0x36: {  	_ = 	snop  }
0x37: {  	[tilespmem:s15], [sflag:$0x1] =	stream.indirect_vreg.gather [hbm4b:s5+s2], $0x80, v4, vm0, $0xb8;
	[tilespmem:$0xC080] =	vst v63  }
0x38: {  	_ = 	snop  }
0x39: {  	[tilespmem:s16], [sflag:$0x1] =	stream.indirect_vreg.gather [hbm4b:s3+s2], $0x80, v3, vm0, $0xb8;
	[tilespmem:$0xC080] =	vst v63  }
0x3a: {  	_ = 	snop  }
0x3b: {  	[tilespmem:s17], [sflag:$0x1] =	stream.indirect_vreg.gather [hbm4b:s4+s2], $0x80, v3, vm0, $0xb8;
	[tilespmem:$0xC080] =	vst v63  }
0x3c: {  	_ = 	snop  }
0x3d: {  	[tilespmem:s18], [sflag:$0x1] =	stream.indirect_vreg.gather [hbm4b:s5+s2], $0x80, v3, vm0, $0xb8;
	[tilespmem:$0xC080] =	vst v63  }
0x3e: {  	v3 =	vld [tilespmem:$0x20];
	_ =	sdelay $0x4  }
0x3f: {  	v62 =	vshrl.u32 v3, $0x3  }
0x40: {  	v4 =	vmul.u32 $0x30, v62  }
0x41: {  	v3 =	vand.u32 $0x7, v3  }
0x42: {  	v3 =	vor.u32 v3, v4  }
0x43: {  	v4 =	vperm.xlane v3, v0;
	_ =	sdelay $0x1  }
0x44: {  	v4 =	vadd.s32 v1, v4;
	_ =	sdelay $0x3  }
0x45: {  	v3 =	vperm.xlane v3, v2  }
0x46: {  	[tilespmem:s19], [sflag:$0x1] =	stream.indirect_vreg.gather [hbm4b:s3+s2], $0x80, v4, vm0, $0xb8;
	[tilespmem:$0xC080] =	vst v63  }
0x47: {  	v3 =	vadd.s32 v1, v3  }
0x48: {  	[tilespmem:s20], [sflag:$0x1] =	stream.indirect_vreg.gather [hbm4b:s4+s2], $0x80, v4, vm0, $0xb8;
	[tilespmem:$0xC080] =	vst v63  }
0x49: {  	_ = 	snop  }
0x4a: {  	[tilespmem:s21], [sflag:$0x1] =	stream.indirect_vreg.gather [hbm4b:s5+s2], $0x80, v4, vm0, $0xb8;
	[tilespmem:$0xC080] =	vst v63  }
0x4b: {  	_ = 	snop  }
0x4c: {  	[tilespmem:s22], [sflag:$0x1] =	stream.indirect_vreg.gather [hbm4b:s3+s2], $0x80, v3, vm0, $0xb8;
	[tilespmem:$0xC080] =	vst v63  }
0x4d: {  	_ = 	snop  }
0x4e: {  	[tilespmem:s23], [sflag:$0x1] =	stream.indirect_vreg.gather [hbm4b:s4+s2], $0x80, v3, vm0, $0xb8;
	[tilespmem:$0xC080] =	vst v63  }
0x4f: {  	_ = 	snop  }
0x50: {  	[tilespmem:s24], [sflag:$0x1] =	stream.indirect_vreg.gather [hbm4b:s5+s2], $0x80, v3, vm0, $0xb8;
	[tilespmem:$0xC080] =	vst v63  }
0x51: {  	v3 =	vld [tilespmem:$0x30];
	_ =	sdelay $0x4  }
0x52: {  	v63 =	vshrl.u32 v3, $0x3  }
0x53: {  	v4 =	vmul.u32 $0x30, v63  }
0x54: {  	v3 =	vand.u32 $0x7, v3  }
0x55: {  	v3 =	vor.u32 v3, v4  }
0x56: {  	v4 =	vperm.xlane v3, v0;
	_ =	sdelay $0x1  }
0x57: {  	v4 =	vadd.s32 v1, v4;
	_ =	sdelay $0x3  }
0x58: {  	v3 =	vperm.xlane v3, v2  }
0x59: {  	[tilespmem:s25], [sflag:$0x1] =	stream.indirect_vreg.gather [hbm4b:s3+s2], $0x80, v4, vm0, $0xb8;
	[tilespmem:$0xC080] =	vst v63  }
0x5a: {  	v3 =	vadd.s32 v1, v3  }
0x5b: {  	[tilespmem:s26], [sflag:$0x1] =	stream.indirect_vreg.gather [hbm4b:s4+s2], $0x80, v4, vm0, $0xb8;
	[tilespmem:$0xC080] =	vst v63  }
0x5c: {  	_ = 	snop  }
0x5d: {  	[tilespmem:s28], [sflag:$0x1] =	stream.indirect_vreg.gather [hbm4b:s5+s2], $0x80, v4, vm0, $0xb8;
	[tilespmem:$0xC080] =	vst v63  }
0x5e: {  	_ = 	snop  }
0x5f: {  	[tilespmem:s29], [sflag:$0x1] =	stream.indirect_vreg.gather [hbm4b:s3+s2], $0x80, v3, vm0, $0xb8;
	[tilespmem:$0xC080] =	vst v63  }
0x60: {  	_ = 	snop  }
0x61: {  	[tilespmem:s30], [sflag:$0x1] =	stream.indirect_vreg.gather [hbm4b:s4+s2], $0x80, v3, vm0, $0xb8;
	[tilespmem:$0xC080] =	vst v63  }
0x62: {  	_ = 	snop  }
0x63: {  	[tilespmem:s31], [sflag:$0x1] =	stream.indirect_vreg.gather [hbm4b:s5+s2], $0x80, v3, vm0, $0xb8;
	[tilespmem:$0xC080] =	vst v63  }
0x64: {  	_ =	swait.ge [sflag:s0], $0xC000  }
0x65: {  	p0 =	sne.s32 s6, $0x1;
	[sflag:s0] =	ssyncset.done $0x0  }
.Ltmp0:
0x66: {  	s1 =	rddreg [dreg:$0x4];
	[sflag:s0] =	ssyncadd.s32 $0xFFFF4000;
	(pc) =	sbr.rel @p0 .LBB2_1-.Ltmp0, $4  }
0x67: {  	[hbm4b:s1+s2] =	stream.linear.scatter [tilespmem:s8], [sflag:$0x2], $0xC000, $0x38;
	[tilespmem:$0xC080] =	vst v63  }
0x68: {  	_ =	swait.ge [sflag:s7], $0xC000  }
0x69: {  	[sflag:s7] =	ssyncset.done $0x0  }
0x6a: {  	s6 =	sadd.s32 $0xFFFFFFFF, s6;
	[sflag:s7] =	ssyncadd.s32 $0xFFFF4000  }
0x6b: {  	_ =	sfence.sel $0x180000  }
0x6c: {  	[bflag:$0x0] =	sbarrier.arrive $0xFFFF  }
0x6d: {  	_ =	strace $0x9000004A  }
0x6e: {  	s0 =	stileid.u32;
	[bflag:$0x2] =	sbarrier.arrive $0xFFFF  }
0x6f: {  	p0 =	sne.s32 s0, $0x0;
	s0 =	rddreg [dreg:$0x2]  }
0x70: {  	s0 =	sadd.s32 @!p0 $0x100000, s0  }
0x71: {  	[sflag:s0] =	ssyncadd.tile.s32 @!p0 $0x1;
	_ =	shalt  }
.Lfunc_end2:
_tile_overlayer_lowered:
.L_overlay_start_2:
0x72: {  	(tag) =	ssettag $0x2  }
0x73: {  	s0 =	rddreg [dreg:$0x0];
	s2 =	stileid.u32  }
0x74: {  	s1 =	rddreg [dreg:$0x1];
	p0 =	sne.s32 s2, $0x0  }
0x75: {  	s3 =	rddreg [dreg:$0x2];
	[bflag:$0x3] =	sbarrier.arrive $0xFFFF;
	s2 =	simm.s32 @!p0 $0x1C02  }
0x76: {  	[timem:s3], [sflag:s2] =	dma.local @!p0 [hbm:s0], s1  }
0x77: {  	s0 =	simm.s32 @!p0 $0x2  }
0x78: {  	_ =	swait.ge @!p0 [sflag:s0], s1  }
0x79: {  	s1 =	ssub.s32 @!p0 $0x0, s1;
	[sflag:s0] =	ssyncset.done @!p0 $0x0  }
0x7a: {  	[sflag:s0] =	ssyncadd.s32 @!p0 s1  }
0x7b: {  	[bflag:$0x3] =	sbarrier.arrive $0xFFFF  }
0x7c: {  	_ =	shalt  }

</sc_bundles>
